<compile_context>
chip_gen: v7x
topology: tpu7x:2x2x1
jax: 0.10.2.dev20260603
libtpu: 0.0.44.dev20260713+nightly
codegen_flags: <defaults>
</compile_context>

<pallas_src>
import functools

import jax
import jax.numpy as jnp
from jax import lax
from jax.experimental import pallas as pl
from jax.experimental.pallas import tpu as pltpu
from jax.experimental.pallas import tpu_sc as plsc

_B, _S, _D = 4, 8192, 1024
_NW = 32
_ROWS_W = _S // _NW
_C = 8
_NCH = _ROWS_W // _C
_E = _C * _D
_EF = _B * _E
_NS = 16


def _sc_body(in_hbm, pos_hbm, out_hbm, pos_v, io, sem_pos, sem_in, sem_out):
    cid = lax.axis_index("c")
    sid = lax.axis_index("s")
    wid = sid * 2 + cid
    base_e = wid * _ROWS_W * _D

    def col(c):
        return pl.multiple_of(base_e + c * _E, _E)

    def fcol(c):
        return pl.multiple_of((wid * _NCH + c) * _EF, _EF)

    def issue_in(q, c):
        pltpu.async_copy(in_hbm.at[pl.ds(fcol(c), _EF)], io.at[sid, q], sem_in[q])
        pltpu.async_copy(pos_hbm.at[pl.ds(col(c), _E)], pos_v.at[q], sem_pos[q])

    def wait_in(p):
        pltpu.make_async_copy(in_hbm.at[pl.ds(0, _EF)], io.at[sid, p], sem_in[p]).wait()
        pltpu.make_async_copy(pos_hbm.at[pl.ds(0, _E)], pos_v.at[p], sem_pos[p]).wait()

    def drain_out(q):
        pltpu.make_async_copy(io.at[sid, q], out_hbm.at[pl.ds(0, _EF)], sem_out[q]).wait()

    def segment(p, c, drain):
        q = 1 - p
        c_next = lax.rem(c + 1, _NCH)
        if drain:
            drain_out(q)
        issue_in(q, c_next)
        wait_in(p)
        pltpu.async_copy(io.at[sid, p], out_hbm.at[pl.ds(fcol(c), _EF)], sem_out[p])

    issue_in(0, 0)
    segment(0, 0, drain=False)
    segment(1, 1, drain=True)

    def loop_body(k, _):
        segment(0, 2 * k, drain=True)
        segment(1, 2 * k + 1, drain=True)
        return 0

    lax.fori_loop(1, _NCH // 2, loop_body, 0)

    wait_in(0)
    drain_out(1)


_sc_add = functools.partial(
    pl.kernel,
    mesh=plsc.VectorSubcoreMesh(core_axis_name="c", subcore_axis_name="s"),
    out_type=jax.ShapeDtypeStruct((_B * _S * _D,), jnp.float32),
    scratch_types=[
        pltpu.VMEM((2, _E), jnp.float32),
        pltpu.VMEM_SHARED((_NS, 2, _EF), jnp.float32),
        [pltpu.SemaphoreType.DMA] * 2,
        [pltpu.SemaphoreType.DMA] * 2,
        [pltpu.SemaphoreType.DMA] * 2,
    ],
)(_sc_body)


def kernel(inputs, pos_table):
    B, S, D = inputs.shape
    out = _sc_add(inputs.reshape(B * S * D), pos_table.reshape(S * D))
    return out.reshape(B, S, D)

# --- scband reference (transcript-rebuilt; emitter-appended) ---
"""Pipeline reference for scband-positional-embedding-4964982194567 (READ-ONLY COPY).

The authoritative reference and input builder live on the scoring server;
editing this copy changes nothing except your own understanding.
"""

import jax, jax.numpy as jnp
import numpy as np

SEQ_LEN = 8192
OUT_DIM = 1024
BATCH = 4

def setup_inputs(seed: int = 0) -> dict:
    key = jax.random.key(seed)
    k1, k2 = jax.random.split(key)
    inputs = jax.random.normal(k1, (BATCH, SEQ_LEN, OUT_DIM), dtype=jnp.float32)
    # learned position embedding table, keras Embedding default uniform init
    pos_table = jax.random.uniform(k2, (SEQ_LEN, OUT_DIM), dtype=jnp.float32, minval=-0.05, maxval=0.05)
    return {"inputs": inputs, "pos_table": pos_table}

def reference(inputs, pos_table):
    # length = tf.shape(inputs)[1]; positions = tf.range(length)
    length = inputs.shape[1]
    positions = jnp.arange(0, length, dtype=jnp.int32)
    # embedding lookup (gather)
    embedded_positions = jnp.take(pos_table, positions, axis=0)
    # broadcast add over batch
    return inputs + embedded_positions

if __name__ == "__main__":
    import jax
    _d = setup_inputs()
    print(jax.jit(kernel)(*tuple(_d.values())))

</pallas_src>

<mosaic_0001>
#map = affine_map<(d0, d1) -> (0)>
module attributes {stable_mosaic.version = 14 : i64} {
  func.func @_sc_body(%arg0: i32, %arg1: i32, %arg2: memref<33554432xf32, #tpu.memory_space<hbm>>, %arg3: memref<8388608xf32, #tpu.memory_space<hbm>>, %arg4: memref<33554432xf32, #tpu.memory_space<hbm>>, %arg5: memref<2x8192xf32, #tpu.memory_space<vmem>>, %arg6: memref<16x2x32768xf32, #tpu.memory_space<vmem_shared>>, %arg7: memref<!tpu.dma_semaphore, #tpu.memory_space<semaphore_mem>>, %arg8: memref<!tpu.dma_semaphore, #tpu.memory_space<semaphore_mem>>, %arg9: memref<!tpu.dma_semaphore, #tpu.memory_space<semaphore_mem>>, %arg10: memref<!tpu.dma_semaphore, #tpu.memory_space<semaphore_mem>>, %arg11: memref<!tpu.dma_semaphore, #tpu.memory_space<semaphore_mem>>, %arg12: memref<!tpu.dma_semaphore, #tpu.memory_space<semaphore_mem>>) attributes {dimension_semantics = [#tpu.dimension_semantics<core_parallel>, #tpu.dimension_semantics<subcore_parallel>], iteration_bounds = array<i64: 2, 16>, scalar_prefetch = 0 : i64, scratch_operands = 8 : i64, tpu.core_type = #tpu.core_type<sc_vector_subcore>, window_params = [{transform_indices = #map}, {transform_indices = #map}, {transform_indices = #map}]} {
    %mul3A = arith.constant 2 : i32
    %mul3A_0 = arith.muli %arg1, %mul3A : i32
    %add3A = arith.addi %mul3A_0, %arg0 : i32
    %mul3A_1 = arith.constant 256 : i32
    %mul3A_2 = arith.muli %add3A, %mul3A_1 : i32
    %mul3A_3 = arith.constant 1024 : i32
    %mul3A_4 = arith.muli %mul3A_2, %mul3A_3 : i32
    %mul3A_5 = arith.constant 32 : i32
    %mul3A_6 = arith.muli %add3A, %mul3A_5 : i32
    %add3A_7 = arith.constant 0 : i32
    %add3A_8 = arith.addi %mul3A_6, %add3A_7 : i32
    %mul3A_9 = arith.constant 32768 : i32
    %mul3A_10 = arith.muli %add3A_8, %mul3A_9 : i32
    %multiple_of3A = tpu.assume_multiple %mul3A_10, 32768 : i32
    %dma_start3A = arith.constant 0 : i32
    %dma_start3A_11 = arith.constant 0 : i32
    %dma_start3A_12 = tpu.memref_slice %arg6[%arg1, %dma_start3A, %dma_start3A_11] : memref<16x2x32768xf32, #tpu.memory_space<vmem_shared>> -> memref<1x1x32768xf32, #tpu.memory_space<vmem_shared>>
    %dma_start3A_13 = tpu.memref_squeeze %dma_start3A_12 : memref<1x1x32768xf32, #tpu.memory_space<vmem_shared>> -> memref<32768xf32, #tpu.memory_space<vmem_shared>>
    %dma_start3A_14 = tpu.memref_slice %arg2[%multiple_of3A] : memref<33554432xf32, #tpu.memory_space<hbm>> -> memref<32768xf32, #tpu.memory_space<hbm>>
    tpu.enqueue_dma source(%dma_start3A_14 : memref<32768xf32, #tpu.memory_space<hbm>>) target(%dma_start3A_13 : memref<32768xf32, #tpu.memory_space<vmem_shared>>) target_semaphore(%arg9 : memref<!tpu.dma_semaphore, #tpu.memory_space<semaphore_mem>>)
    %add3A_15 = arith.constant 0 : i32
    %add3A_16 = arith.addi %mul3A_4, %add3A_15 : i32
    %multiple_of3A_17 = tpu.assume_multiple %add3A_16, 8192 : i32
    %dma_start3A_18 = arith.constant 0 : i32
    %dma_start3A_19 = arith.constant 0 : i32
    %dma_start3A_20 = tpu.memref_slice %arg5[%dma_start3A_18, %dma_start3A_19] : memref<2x8192xf32, #tpu.memory_space<vmem>> -> memref<1x8192xf32, #tpu.memory_space<vmem>>
    %dma_start3A_21 = tpu.memref_squeeze %dma_start3A_20 : memref<1x8192xf32, #tpu.memory_space<vmem>> -> memref<8192xf32, #tpu.memory_space<vmem>>
    %dma_start3A_22 = tpu.memref_slice %arg3[%multiple_of3A_17] : memref<8388608xf32, #tpu.memory_space<hbm>> -> memref<8192xf32, #tpu.memory_space<hbm>>
    %dma_start3A_23 = arith.constant 0 : i32
    %dma_start3A_24 = tpu.memref_slice %arg5[%dma_start3A_18, %dma_start3A_23] : memref<2x8192xf32, #tpu.memory_space<vmem>> -> memref<1x8192xf32, #tpu.memory_space<vmem>>
    %dma_start3A_25 = tpu.memref_squeeze %dma_start3A_24 : memref<1x8192xf32, #tpu.memory_space<vmem>> -> memref<8192xf32, #tpu.memory_space<vmem>>
    %dma_start3A_26 = tpu.memref_slice %arg3[%multiple_of3A_17] : memref<8388608xf32, #tpu.memory_space<hbm>> -> memref<8192xf32, #tpu.memory_space<hbm>>
    tpu.enqueue_dma source(%dma_start3A_26 : memref<8192xf32, #tpu.memory_space<hbm>>) target(%dma_start3A_25 : memref<8192xf32, #tpu.memory_space<vmem>>) target_semaphore(%arg7 : memref<!tpu.dma_semaphore, #tpu.memory_space<semaphore_mem>>)
    %rem3A = arith.constant 1 : i32
    %rem3A_27 = arith.constant 32 : i32
    %rem3A_28 = arith.remsi %rem3A, %rem3A_27 : i32
    %mul3A_29 = arith.constant 32 : i32
    %mul3A_30 = arith.muli %add3A, %mul3A_29 : i32
    %add3A_31 = arith.addi %mul3A_30, %rem3A_28 : i32
    %mul3A_32 = arith.constant 32768 : i32
    %mul3A_33 = arith.muli %add3A_31, %mul3A_32 : i32
    %multiple_of3A_34 = tpu.assume_multiple %mul3A_33, 32768 : i32
    %dma_start3A_35 = arith.constant 1 : i32
    %dma_start3A_36 = arith.constant 0 : i32
    %dma_start3A_37 = tpu.memref_slice %arg6[%arg1, %dma_start3A_35, %dma_start3A_36] : memref<16x2x32768xf32, #tpu.memory_space<vmem_shared>> -> memref<1x1x32768xf32, #tpu.memory_space<vmem_shared>>
    %dma_start3A_38 = tpu.memref_squeeze %dma_start3A_37 : memref<1x1x32768xf32, #tpu.memory_space<vmem_shared>> -> memref<32768xf32, #tpu.memory_space<vmem_shared>>
    %dma_start3A_39 = tpu.memref_slice %arg2[%multiple_of3A_34] : memref<33554432xf32, #tpu.memory_space<hbm>> -> memref<32768xf32, #tpu.memory_space<hbm>>
    tpu.enqueue_dma source(%dma_start3A_39 : memref<32768xf32, #tpu.memory_space<hbm>>) target(%dma_start3A_38 : memref<32768xf32, #tpu.memory_space<vmem_shared>>) target_semaphore(%arg10 : memref<!tpu.dma_semaphore, #tpu.memory_space<semaphore_mem>>)
    %mul3A_40 = arith.constant 8192 : i32
    %mul3A_41 = arith.muli %rem3A_28, %mul3A_40 : i32
    %add3A_42 = arith.addi %mul3A_4, %mul3A_41 : i32
    %multiple_of3A_43 = tpu.assume_multiple %add3A_42, 8192 : i32
    %dma_start3A_44 = arith.constant 1 : i32
    %dma_start3A_45 = arith.constant 0 : i32
    %dma_start3A_46 = tpu.memref_slice %arg5[%dma_start3A_44, %dma_start3A_45] : memref<2x8192xf32, #tpu.memory_space<vmem>> -> memref<1x8192xf32, #tpu.memory_space<vmem>>
    %dma_start3A_47 = tpu.memref_squeeze %dma_start3A_46 : memref<1x8192xf32, #tpu.memory_space<vmem>> -> memref<8192xf32, #tpu.memory_space<vmem>>
    %dma_start3A_48 = tpu.memref_slice %arg3[%multiple_of3A_43] : memref<8388608xf32, #tpu.memory_space<hbm>> -> memref<8192xf32, #tpu.memory_space<hbm>>
    %dma_start3A_49 = arith.constant 0 : i32
    %dma_start3A_50 = tpu.memref_slice %arg5[%dma_start3A_44, %dma_start3A_49] : memref<2x8192xf32, #tpu.memory_space<vmem>> -> memref<1x8192xf32, #tpu.memory_space<vmem>>
    %dma_start3A_51 = tpu.memref_squeeze %dma_start3A_50 : memref<1x8192xf32, #tpu.memory_space<vmem>> -> memref<8192xf32, #tpu.memory_space<vmem>>
    %dma_start3A_52 = tpu.memref_slice %arg3[%multiple_of3A_43] : memref<8388608xf32, #tpu.memory_space<hbm>> -> memref<8192xf32, #tpu.memory_space<hbm>>
    tpu.enqueue_dma source(%dma_start3A_52 : memref<8192xf32, #tpu.memory_space<hbm>>) target(%dma_start3A_51 : memref<8192xf32, #tpu.memory_space<vmem>>) target_semaphore(%arg8 : memref<!tpu.dma_semaphore, #tpu.memory_space<semaphore_mem>>)
    %dma_wait3A = arith.constant 0 : i32
    %dma_wait3A_53 = arith.constant 0 : i32
    %dma_wait3A_54 = tpu.memref_slice %arg6[%arg1, %dma_wait3A, %dma_wait3A_53] : memref<16x2x32768xf32, #tpu.memory_space<vmem_shared>> -> memref<1x1x32768xf32, #tpu.memory_space<vmem_shared>>
    %dma_wait3A_55 = tpu.memref_squeeze %dma_wait3A_54 : memref<1x1x32768xf32, #tpu.memory_space<vmem_shared>> -> memref<32768xf32, #tpu.memory_space<vmem_shared>>
    %dma_wait3A_56 = arith.constant 0 : i32
    %dma_wait3A_57 = tpu.memref_slice %arg2[%dma_wait3A_56] : memref<33554432xf32, #tpu.memory_space<hbm>> -> memref<32768xf32, #tpu.memory_space<hbm>>
    tpu.wait_dma2 semaphore(%arg9 : memref<!tpu.dma_semaphore, #tpu.memory_space<semaphore_mem>>) src(%dma_wait3A_57 : memref<32768xf32, #tpu.memory_space<hbm>>) dst(%dma_wait3A_55 : memref<32768xf32, #tpu.memory_space<vmem_shared>>)
    %dma_wait3A_58 = arith.constant 0 : i32
    %dma_wait3A_59 = arith.constant 0 : i32
    %dma_wait3A_60 = tpu.memref_slice %arg5[%dma_wait3A_58, %dma_wait3A_59] : memref<2x8192xf32, #tpu.memory_space<vmem>> -> memref<1x8192xf32, #tpu.memory_space<vmem>>
    %dma_wait3A_61 = tpu.memref_squeeze %dma_wait3A_60 : memref<1x8192xf32, #tpu.memory_space<vmem>> -> memref<8192xf32, #tpu.memory_space<vmem>>
    %dma_wait3A_62 = arith.constant 0 : i32
    %dma_wait3A_63 = tpu.memref_slice %arg3[%dma_wait3A_62] : memref<8388608xf32, #tpu.memory_space<hbm>> -> memref<8192xf32, #tpu.memory_space<hbm>>
    %dma_wait3A_64 = arith.constant 0 : i32
    %dma_wait3A_65 = tpu.memref_slice %arg5[%dma_wait3A_58, %dma_wait3A_64] : memref<2x8192xf32, #tpu.memory_space<vmem>> -> memref<1x8192xf32, #tpu.memory_space<vmem>>
    %dma_wait3A_66 = tpu.memref_squeeze %dma_wait3A_65 : memref<1x8192xf32, #tpu.memory_space<vmem>> -> memref<8192xf32, #tpu.memory_space<vmem>>
    %dma_wait3A_67 = arith.constant 0 : i32
    %dma_wait3A_68 = tpu.memref_slice %arg3[%dma_wait3A_67] : memref<8388608xf32, #tpu.memory_space<hbm>> -> memref<8192xf32, #tpu.memory_space<hbm>>
    tpu.wait_dma2 semaphore(%arg7 : memref<!tpu.dma_semaphore, #tpu.memory_space<semaphore_mem>>) src(%dma_wait3A_68 : memref<8192xf32, #tpu.memory_space<hbm>>) dst(%dma_wait3A_66 : memref<8192xf32, #tpu.memory_space<vmem>>)
    %mul3A_69 = arith.constant 32 : i32
    %mul3A_70 = arith.muli %add3A, %mul3A_69 : i32
    %add3A_71 = arith.constant 0 : i32
    %add3A_72 = arith.addi %mul3A_70, %add3A_71 : i32
    %mul3A_73 = arith.constant 32768 : i32
    %mul3A_74 = arith.muli %add3A_72, %mul3A_73 : i32
    %multiple_of3A_75 = tpu.assume_multiple %mul3A_74, 32768 : i32
    %dma_start3A_76 = arith.constant 0 : i32
    %dma_start3A_77 = tpu.memref_slice %arg4[%multiple_of3A_75] : memref<33554432xf32, #tpu.memory_space<hbm>> -> memref<32768xf32, #tpu.memory_space<hbm>>
    %dma_start3A_78 = arith.constant 0 : i32
    %dma_start3A_79 = tpu.memref_slice %arg6[%arg1, %dma_start3A_76, %dma_start3A_78] : memref<16x2x32768xf32, #tpu.memory_space<vmem_shared>> -> memref<1x1x32768xf32, #tpu.memory_space<vmem_shared>>
    %dma_start3A_80 = tpu.memref_squeeze %dma_start3A_79 : memref<1x1x32768xf32, #tpu.memory_space<vmem_shared>> -> memref<32768xf32, #tpu.memory_space<vmem_shared>>
    tpu.enqueue_dma source(%dma_start3A_80 : memref<32768xf32, #tpu.memory_space<vmem_shared>>) target(%dma_start3A_77 : memref<32768xf32, #tpu.memory_space<hbm>>) target_semaphore(%arg11 : memref<!tpu.dma_semaphore, #tpu.memory_space<semaphore_mem>>)
    %rem3A_81 = arith.constant 2 : i32
    %rem3A_82 = arith.constant 32 : i32
    %rem3A_83 = arith.remsi %rem3A_81, %rem3A_82 : i32
    %dma_wait3A_84 = arith.constant 0 : i32
    %dma_wait3A_85 = arith.constant 0 : i32
    %dma_wait3A_86 = tpu.memref_slice %arg4[%dma_wait3A_85] : memref<33554432xf32, #tpu.memory_space<hbm>> -> memref<32768xf32, #tpu.memory_space<hbm>>
    %dma_wait3A_87 = arith.constant 0 : i32
    %dma_wait3A_88 = tpu.memref_slice %arg6[%arg1, %dma_wait3A_84, %dma_wait3A_87] : memref<16x2x32768xf32, #tpu.memory_space<vmem_shared>> -> memref<1x1x32768xf32, #tpu.memory_space<vmem_shared>>
    %dma_wait3A_89 = tpu.memref_squeeze %dma_wait3A_88 : memref<1x1x32768xf32, #tpu.memory_space<vmem_shared>> -> memref<32768xf32, #tpu.memory_space<vmem_shared>>
    tpu.wait_dma2 semaphore(%arg11 : memref<!tpu.dma_semaphore, #tpu.memory_space<semaphore_mem>>) src(%dma_wait3A_89 : memref<32768xf32, #tpu.memory_space<vmem_shared>>) dst(%dma_wait3A_86 : memref<32768xf32, #tpu.memory_space<hbm>>)
    %mul3A_90 = arith.constant 32 : i32
    %mul3A_91 = arith.muli %add3A, %mul3A_90 : i32
    %add3A_92 = arith.addi %mul3A_91, %rem3A_83 : i32
    %mul3A_93 = arith.constant 32768 : i32
    %mul3A_94 = arith.muli %add3A_92, %mul3A_93 : i32
    %multiple_of3A_95 = tpu.assume_multiple %mul3A_94, 32768 : i32
    %dma_start3A_96 = arith.constant 0 : i32
    %dma_start3A_97 = arith.constant 0 : i32
    %dma_start3A_98 = tpu.memref_slice %arg6[%arg1, %dma_start3A_96, %dma_start3A_97] : memref<16x2x32768xf32, #tpu.memory_space<vmem_shared>> -> memref<1x1x32768xf32, #tpu.memory_space<vmem_shared>>
    %dma_start3A_99 = tpu.memref_squeeze %dma_start3A_98 : memref<1x1x32768xf32, #tpu.memory_space<vmem_shared>> -> memref<32768xf32, #tpu.memory_space<vmem_shared>>
    %dma_start3A_100 = tpu.memref_slice %arg2[%multiple_of3A_95] : memref<33554432xf32, #tpu.memory_space<hbm>> -> memref<32768xf32, #tpu.memory_space<hbm>>
    tpu.enqueue_dma source(%dma_start3A_100 : memref<32768xf32, #tpu.memory_space<hbm>>) target(%dma_start3A_99 : memref<32768xf32, #tpu.memory_space<vmem_shared>>) target_semaphore(%arg9 : memref<!tpu.dma_semaphore, #tpu.memory_space<semaphore_mem>>)
    %mul3A_101 = arith.constant 8192 : i32
    %mul3A_102 = arith.muli %rem3A_83, %mul3A_101 : i32
    %add3A_103 = arith.addi %mul3A_4, %mul3A_102 : i32
    %multiple_of3A_104 = tpu.assume_multiple %add3A_103, 8192 : i32
    %dma_start3A_105 = arith.constant 0 : i32
    %dma_start3A_106 = arith.constant 0 : i32
    %dma_start3A_107 = tpu.memref_slice %arg5[%dma_start3A_105, %dma_start3A_106] : memref<2x8192xf32, #tpu.memory_space<vmem>> -> memref<1x8192xf32, #tpu.memory_space<vmem>>
    %dma_start3A_108 = tpu.memref_squeeze %dma_start3A_107 : memref<1x8192xf32, #tpu.memory_space<vmem>> -> memref<8192xf32, #tpu.memory_space<vmem>>
    %dma_start3A_109 = tpu.memref_slice %arg3[%multiple_of3A_104] : memref<8388608xf32, #tpu.memory_space<hbm>> -> memref<8192xf32, #tpu.memory_space<hbm>>
    %dma_start3A_110 = arith.constant 0 : i32
    %dma_start3A_111 = tpu.memref_slice %arg5[%dma_start3A_105, %dma_start3A_110] : memref<2x8192xf32, #tpu.memory_space<vmem>> -> memref<1x8192xf32, #tpu.memory_space<vmem>>
    %dma_start3A_112 = tpu.memref_squeeze %dma_start3A_111 : memref<1x8192xf32, #tpu.memory_space<vmem>> -> memref<8192xf32, #tpu.memory_space<vmem>>
    %dma_start3A_113 = tpu.memref_slice %arg3[%multiple_of3A_104] : memref<8388608xf32, #tpu.memory_space<hbm>> -> memref<8192xf32, #tpu.memory_space<hbm>>
    tpu.enqueue_dma source(%dma_start3A_113 : memref<8192xf32, #tpu.memory_space<hbm>>) target(%dma_start3A_112 : memref<8192xf32, #tpu.memory_space<vmem>>) target_semaphore(%arg7 : memref<!tpu.dma_semaphore, #tpu.memory_space<semaphore_mem>>)
    %dma_wait3A_114 = arith.constant 1 : i32
    %dma_wait3A_115 = arith.constant 0 : i32
    %dma_wait3A_116 = tpu.memref_slice %arg6[%arg1, %dma_wait3A_114, %dma_wait3A_115] : memref<16x2x32768xf32, #tpu.memory_space<vmem_shared>> -> memref<1x1x32768xf32, #tpu.memory_space<vmem_shared>>
    %dma_wait3A_117 = tpu.memref_squeeze %dma_wait3A_116 : memref<1x1x32768xf32, #tpu.memory_space<vmem_shared>> -> memref<32768xf32, #tpu.memory_space<vmem_shared>>
    %dma_wait3A_118 = arith.constant 0 : i32
    %dma_wait3A_119 = tpu.memref_slice %arg2[%dma_wait3A_118] : memref<33554432xf32, #tpu.memory_space<hbm>> -> memref<32768xf32, #tpu.memory_space<hbm>>
    tpu.wait_dma2 semaphore(%arg10 : memref<!tpu.dma_semaphore, #tpu.memory_space<semaphore_mem>>) src(%dma_wait3A_119 : memref<32768xf32, #tpu.memory_space<hbm>>) dst(%dma_wait3A_117 : memref<32768xf32, #tpu.memory_space<vmem_shared>>)
    %dma_wait3A_120 = arith.constant 1 : i32
    %dma_wait3A_121 = arith.constant 0 : i32
    %dma_wait3A_122 = tpu.memref_slice %arg5[%dma_wait3A_120, %dma_wait3A_121] : memref<2x8192xf32, #tpu.memory_space<vmem>> -> memref<1x8192xf32, #tpu.memory_space<vmem>>
    %dma_wait3A_123 = tpu.memref_squeeze %dma_wait3A_122 : memref<1x8192xf32, #tpu.memory_space<vmem>> -> memref<8192xf32, #tpu.memory_space<vmem>>
    %dma_wait3A_124 = arith.constant 0 : i32
    %dma_wait3A_125 = tpu.memref_slice %arg3[%dma_wait3A_124] : memref<8388608xf32, #tpu.memory_space<hbm>> -> memref<8192xf32, #tpu.memory_space<hbm>>
    %dma_wait3A_126 = arith.constant 0 : i32
    %dma_wait3A_127 = tpu.memref_slice %arg5[%dma_wait3A_120, %dma_wait3A_126] : memref<2x8192xf32, #tpu.memory_space<vmem>> -> memref<1x8192xf32, #tpu.memory_space<vmem>>
    %dma_wait3A_128 = tpu.memref_squeeze %dma_wait3A_127 : memref<1x8192xf32, #tpu.memory_space<vmem>> -> memref<8192xf32, #tpu.memory_space<vmem>>
    %dma_wait3A_129 = arith.constant 0 : i32
    %dma_wait3A_130 = tpu.memref_slice %arg3[%dma_wait3A_129] : memref<8388608xf32, #tpu.memory_space<hbm>> -> memref<8192xf32, #tpu.memory_space<hbm>>
    tpu.wait_dma2 semaphore(%arg8 : memref<!tpu.dma_semaphore, #tpu.memory_space<semaphore_mem>>) src(%dma_wait3A_130 : memref<8192xf32, #tpu.memory_space<hbm>>) dst(%dma_wait3A_128 : memref<8192xf32, #tpu.memory_space<vmem>>)
    %mul3A_131 = arith.constant 32 : i32
    %mul3A_132 = arith.muli %add3A, %mul3A_131 : i32
    %add3A_133 = arith.constant 1 : i32
    %add3A_134 = arith.addi %mul3A_132, %add3A_133 : i32
    %mul3A_135 = arith.constant 32768 : i32
    %mul3A_136 = arith.muli %add3A_134, %mul3A_135 : i32
    %multiple_of3A_137 = tpu.assume_multiple %mul3A_136, 32768 : i32
    %dma_start3A_138 = arith.constant 1 : i32
    %dma_start3A_139 = tpu.memref_slice %arg4[%multiple_of3A_137] : memref<33554432xf32, #tpu.memory_space<hbm>> -> memref<32768xf32, #tpu.memory_space<hbm>>
    %dma_start3A_140 = arith.constant 0 : i32
    %dma_start3A_141 = tpu.memref_slice %arg6[%arg1, %dma_start3A_138, %dma_start3A_140] : memref<16x2x32768xf32, #tpu.memory_space<vmem_shared>> -> memref<1x1x32768xf32, #tpu.memory_space<vmem_shared>>
    %dma_start3A_142 = tpu.memref_squeeze %dma_start3A_141 : memref<1x1x32768xf32, #tpu.memory_space<vmem_shared>> -> memref<32768xf32, #tpu.memory_space<vmem_shared>>
    tpu.enqueue_dma source(%dma_start3A_142 : memref<32768xf32, #tpu.memory_space<vmem_shared>>) target(%dma_start3A_139 : memref<32768xf32, #tpu.memory_space<hbm>>) target_semaphore(%arg12 : memref<!tpu.dma_semaphore, #tpu.memory_space<semaphore_mem>>)
    %scan3A = arith.constant 0 : i32
    %scan3A_143 = arith.constant 1 : i32
    %scan3A_144 = arith.constant 15 : i32
    %scan3A_145 = arith.addi %scan3A_143, %scan3A_144 : i32
    %scan3A_146 = arith.constant 1 : i32
    %scan3A_147 = scf.for %scan3A_172 = %scan3A_143 to %scan3A_145 step %scan3A_146 iter_args(%scan3A_173 = %scan3A) -> (i32)  : i32 {
      %mul3A_174 = arith.constant 2 : i32
      %mul3A_175 = arith.muli %mul3A_174, %scan3A_172 : i32
      %add3A_176 = arith.constant 1 : i32
      %add3A_177 = arith.addi %mul3A_175, %add3A_176 : i32
      %rem3A_178 = arith.constant 32 : i32
      %rem3A_179 = arith.remsi %add3A_177, %rem3A_178 : i32
      %dma_wait3A_180 = arith.constant 1 : i32
      %dma_wait3A_181 = arith.constant 0 : i32
      %dma_wait3A_182 = tpu.memref_slice %arg4[%dma_wait3A_181] : memref<33554432xf32, #tpu.memory_space<hbm>> -> memref<32768xf32, #tpu.memory_space<hbm>>
      %dma_wait3A_183 = arith.constant 0 : i32
      %dma_wait3A_184 = tpu.memref_slice %arg6[%arg1, %dma_wait3A_180, %dma_wait3A_183] : memref<16x2x32768xf32, #tpu.memory_space<vmem_shared>> -> memref<1x1x32768xf32, #tpu.memory_space<vmem_shared>>
      %dma_wait3A_185 = tpu.memref_squeeze %dma_wait3A_184 : memref<1x1x32768xf32, #tpu.memory_space<vmem_shared>> -> memref<32768xf32, #tpu.memory_space<vmem_shared>>
      tpu.wait_dma2 semaphore(%arg12 : memref<!tpu.dma_semaphore, #tpu.memory_space<semaphore_mem>>) src(%dma_wait3A_185 : memref<32768xf32, #tpu.memory_space<vmem_shared>>) dst(%dma_wait3A_182 : memref<32768xf32, #tpu.memory_space<hbm>>)
      %mul3A_186 = arith.constant 32 : i32
      %mul3A_187 = arith.muli %add3A, %mul3A_186 : i32
      %add3A_188 = arith.addi %mul3A_187, %rem3A_179 : i32
      %mul3A_189 = arith.constant 32768 : i32
      %mul3A_190 = arith.muli %add3A_188, %mul3A_189 : i32
      %multiple_of3A_191 = tpu.assume_multiple %mul3A_190, 32768 : i32
      %dma_start3A_192 = arith.constant 1 : i32
      %dma_start3A_193 = arith.constant 0 : i32
      %dma_start3A_194 = tpu.memref_slice %arg6[%arg1, %dma_start3A_192, %dma_start3A_193] : memref<16x2x32768xf32, #tpu.memory_space<vmem_shared>> -> memref<1x1x32768xf32, #tpu.memory_space<vmem_shared>>
      %dma_start3A_195 = tpu.memref_squeeze %dma_start3A_194 : memref<1x1x32768xf32, #tpu.memory_space<vmem_shared>> -> memref<32768xf32, #tpu.memory_space<vmem_shared>>
      %dma_start3A_196 = tpu.memref_slice %arg2[%multiple_of3A_191] : memref<33554432xf32, #tpu.memory_space<hbm>> -> memref<32768xf32, #tpu.memory_space<hbm>>
      tpu.enqueue_dma source(%dma_start3A_196 : memref<32768xf32, #tpu.memory_space<hbm>>) target(%dma_start3A_195 : memref<32768xf32, #tpu.memory_space<vmem_shared>>) target_semaphore(%arg10 : memref<!tpu.dma_semaphore, #tpu.memory_space<semaphore_mem>>)
      %mul3A_197 = arith.constant 8192 : i32
      %mul3A_198 = arith.muli %rem3A_179, %mul3A_197 : i32
      %add3A_199 = arith.addi %mul3A_4, %mul3A_198 : i32
      %multiple_of3A_200 = tpu.assume_multiple %add3A_199, 8192 : i32
      %dma_start3A_201 = arith.constant 1 : i32
      %dma_start3A_202 = arith.constant 0 : i32
      %dma_start3A_203 = tpu.memref_slice %arg5[%dma_start3A_201, %dma_start3A_202] : memref<2x8192xf32, #tpu.memory_space<vmem>> -> memref<1x8192xf32, #tpu.memory_space<vmem>>
      %dma_start3A_204 = tpu.memref_squeeze %dma_start3A_203 : memref<1x8192xf32, #tpu.memory_space<vmem>> -> memref<8192xf32, #tpu.memory_space<vmem>>
      %dma_start3A_205 = tpu.memref_slice %arg3[%multiple_of3A_200] : memref<8388608xf32, #tpu.memory_space<hbm>> -> memref<8192xf32, #tpu.memory_space<hbm>>
      %dma_start3A_206 = arith.constant 0 : i32
      %dma_start3A_207 = tpu.memref_slice %arg5[%dma_start3A_201, %dma_start3A_206] : memref<2x8192xf32, #tpu.memory_space<vmem>> -> memref<1x8192xf32, #tpu.memory_space<vmem>>
      %dma_start3A_208 = tpu.memref_squeeze %dma_start3A_207 : memref<1x8192xf32, #tpu.memory_space<vmem>> -> memref<8192xf32, #tpu.memory_space<vmem>>
      %dma_start3A_209 = tpu.memref_slice %arg3[%multiple_of3A_200] : memref<8388608xf32, #tpu.memory_space<hbm>> -> memref<8192xf32, #tpu.memory_space<hbm>>
      tpu.enqueue_dma source(%dma_start3A_209 : memref<8192xf32, #tpu.memory_space<hbm>>) target(%dma_start3A_208 : memref<8192xf32, #tpu.memory_space<vmem>>) target_semaphore(%arg8 : memref<!tpu.dma_semaphore, #tpu.memory_space<semaphore_mem>>)
      %dma_wait3A_210 = arith.constant 0 : i32
      %dma_wait3A_211 = arith.constant 0 : i32
      %dma_wait3A_212 = tpu.memref_slice %arg6[%arg1, %dma_wait3A_210, %dma_wait3A_211] : memref<16x2x32768xf32, #tpu.memory_space<vmem_shared>> -> memref<1x1x32768xf32, #tpu.memory_space<vmem_shared>>
      %dma_wait3A_213 = tpu.memref_squeeze %dma_wait3A_212 : memref<1x1x32768xf32, #tpu.memory_space<vmem_shared>> -> memref<32768xf32, #tpu.memory_space<vmem_shared>>
      %dma_wait3A_214 = arith.constant 0 : i32
      %dma_wait3A_215 = tpu.memref_slice %arg2[%dma_wait3A_214] : memref<33554432xf32, #tpu.memory_space<hbm>> -> memref<32768xf32, #tpu.memory_space<hbm>>
      tpu.wait_dma2 semaphore(%arg9 : memref<!tpu.dma_semaphore, #tpu.memory_space<semaphore_mem>>) src(%dma_wait3A_215 : memref<32768xf32, #tpu.memory_space<hbm>>) dst(%dma_wait3A_213 : memref<32768xf32, #tpu.memory_space<vmem_shared>>)
      %dma_wait3A_216 = arith.constant 0 : i32
      %dma_wait3A_217 = arith.constant 0 : i32
      %dma_wait3A_218 = tpu.memref_slice %arg5[%dma_wait3A_216, %dma_wait3A_217] : memref<2x8192xf32, #tpu.memory_space<vmem>> -> memref<1x8192xf32, #tpu.memory_space<vmem>>
      %dma_wait3A_219 = tpu.memref_squeeze %dma_wait3A_218 : memref<1x8192xf32, #tpu.memory_space<vmem>> -> memref<8192xf32, #tpu.memory_space<vmem>>
      %dma_wait3A_220 = arith.constant 0 : i32
      %dma_wait3A_221 = tpu.memref_slice %arg3[%dma_wait3A_220] : memref<8388608xf32, #tpu.memory_space<hbm>> -> memref<8192xf32, #tpu.memory_space<hbm>>
      %dma_wait3A_222 = arith.constant 0 : i32
      %dma_wait3A_223 = tpu.memref_slice %arg5[%dma_wait3A_216, %dma_wait3A_222] : memref<2x8192xf32, #tpu.memory_space<vmem>> -> memref<1x8192xf32, #tpu.memory_space<vmem>>
      %dma_wait3A_224 = tpu.memref_squeeze %dma_wait3A_223 : memref<1x8192xf32, #tpu.memory_space<vmem>> -> memref<8192xf32, #tpu.memory_space<vmem>>
      %dma_wait3A_225 = arith.constant 0 : i32
      %dma_wait3A_226 = tpu.memref_slice %arg3[%dma_wait3A_225] : memref<8388608xf32, #tpu.memory_space<hbm>> -> memref<8192xf32, #tpu.memory_space<hbm>>
      tpu.wait_dma2 semaphore(%arg7 : memref<!tpu.dma_semaphore, #tpu.memory_space<semaphore_mem>>) src(%dma_wait3A_226 : memref<8192xf32, #tpu.memory_space<hbm>>) dst(%dma_wait3A_224 : memref<8192xf32, #tpu.memory_space<vmem>>)
      %mul3A_227 = arith.constant 32 : i32
      %mul3A_228 = arith.muli %add3A, %mul3A_227 : i32
      %add3A_229 = arith.addi %mul3A_228, %mul3A_175 : i32
      %mul3A_230 = arith.constant 32768 : i32
      %mul3A_231 = arith.muli %add3A_229, %mul3A_230 : i32
      %multiple_of3A_232 = tpu.assume_multiple %mul3A_231, 32768 : i32
      %dma_start3A_233 = arith.constant 0 : i32
      %dma_start3A_234 = tpu.memref_slice %arg4[%multiple_of3A_232] : memref<33554432xf32, #tpu.memory_space<hbm>> -> memref<32768xf32, #tpu.memory_space<hbm>>
      %dma_start3A_235 = arith.constant 0 : i32
      %dma_start3A_236 = tpu.memref_slice %arg6[%arg1, %dma_start3A_233, %dma_start3A_235] : memref<16x2x32768xf32, #tpu.memory_space<vmem_shared>> -> memref<1x1x32768xf32, #tpu.memory_space<vmem_shared>>
      %dma_start3A_237 = tpu.memref_squeeze %dma_start3A_236 : memref<1x1x32768xf32, #tpu.memory_space<vmem_shared>> -> memref<32768xf32, #tpu.memory_space<vmem_shared>>
      tpu.enqueue_dma source(%dma_start3A_237 : memref<32768xf32, #tpu.memory_space<vmem_shared>>) target(%dma_start3A_234 : memref<32768xf32, #tpu.memory_space<hbm>>) target_semaphore(%arg11 : memref<!tpu.dma_semaphore, #tpu.memory_space<semaphore_mem>>)
      %mul3A_238 = arith.constant 2 : i32
      %mul3A_239 = arith.muli %mul3A_238, %scan3A_172 : i32
      %add3A_240 = arith.constant 1 : i32
      %add3A_241 = arith.addi %mul3A_239, %add3A_240 : i32
      %add3A_242 = arith.constant 1 : i32
      %add3A_243 = arith.addi %add3A_241, %add3A_242 : i32
      %rem3A_244 = arith.constant 32 : i32
      %rem3A_245 = arith.remsi %add3A_243, %rem3A_244 : i32
      %dma_wait3A_246 = arith.constant 0 : i32
      %dma_wait3A_247 = arith.constant 0 : i32
      %dma_wait3A_248 = tpu.memref_slice %arg4[%dma_wait3A_247] : memref<33554432xf32, #tpu.memory_space<hbm>> -> memref<32768xf32, #tpu.memory_space<hbm>>
      %dma_wait3A_249 = arith.constant 0 : i32
      %dma_wait3A_250 = tpu.memref_slice %arg6[%arg1, %dma_wait3A_246, %dma_wait3A_249] : memref<16x2x32768xf32, #tpu.memory_space<vmem_shared>> -> memref<1x1x32768xf32, #tpu.memory_space<vmem_shared>>
      %dma_wait3A_251 = tpu.memref_squeeze %dma_wait3A_250 : memref<1x1x32768xf32, #tpu.memory_space<vmem_shared>> -> memref<32768xf32, #tpu.memory_space<vmem_shared>>
      tpu.wait_dma2 semaphore(%arg11 : memref<!tpu.dma_semaphore, #tpu.memory_space<semaphore_mem>>) src(%dma_wait3A_251 : memref<32768xf32, #tpu.memory_space<vmem_shared>>) dst(%dma_wait3A_248 : memref<32768xf32, #tpu.memory_space<hbm>>)
      %mul3A_252 = arith.constant 32 : i32
      %mul3A_253 = arith.muli %add3A, %mul3A_252 : i32
      %add3A_254 = arith.addi %mul3A_253, %rem3A_245 : i32
      %mul3A_255 = arith.constant 32768 : i32
      %mul3A_256 = arith.muli %add3A_254, %mul3A_255 : i32
      %multiple_of3A_257 = tpu.assume_multiple %mul3A_256, 32768 : i32
      %dma_start3A_258 = arith.constant 0 : i32
      %dma_start3A_259 = arith.constant 0 : i32
      %dma_start3A_260 = tpu.memref_slice %arg6[%arg1, %dma_start3A_258, %dma_start3A_259] : memref<16x2x32768xf32, #tpu.memory_space<vmem_shared>> -> memref<1x1x32768xf32, #tpu.memory_space<vmem_shared>>
      %dma_start3A_261 = tpu.memref_squeeze %dma_start3A_260 : memref<1x1x32768xf32, #tpu.memory_space<vmem_shared>> -> memref<32768xf32, #tpu.memory_space<vmem_shared>>
      %dma_start3A_262 = tpu.memref_slice %arg2[%multiple_of3A_257] : memref<33554432xf32, #tpu.memory_space<hbm>> -> memref<32768xf32, #tpu.memory_space<hbm>>
      tpu.enqueue_dma source(%dma_start3A_262 : memref<32768xf32, #tpu.memory_space<hbm>>) target(%dma_start3A_261 : memref<32768xf32, #tpu.memory_space<vmem_shared>>) target_semaphore(%arg9 : memref<!tpu.dma_semaphore, #tpu.memory_space<semaphore_mem>>)
      %mul3A_263 = arith.constant 8192 : i32
      %mul3A_264 = arith.muli %rem3A_245, %mul3A_263 : i32
      %add3A_265 = arith.addi %mul3A_4, %mul3A_264 : i32
      %multiple_of3A_266 = tpu.assume_multiple %add3A_265, 8192 : i32
      %dma_start3A_267 = arith.constant 0 : i32
      %dma_start3A_268 = arith.constant 0 : i32
      %dma_start3A_269 = tpu.memref_slice %arg5[%dma_start3A_267, %dma_start3A_268] : memref<2x8192xf32, #tpu.memory_space<vmem>> -> memref<1x8192xf32, #tpu.memory_space<vmem>>
      %dma_start3A_270 = tpu.memref_squeeze %dma_start3A_269 : memref<1x8192xf32, #tpu.memory_space<vmem>> -> memref<8192xf32, #tpu.memory_space<vmem>>
      %dma_start3A_271 = tpu.memref_slice %arg3[%multiple_of3A_266] : memref<8388608xf32, #tpu.memory_space<hbm>> -> memref<8192xf32, #tpu.memory_space<hbm>>
      %dma_start3A_272 = arith.constant 0 : i32
      %dma_start3A_273 = tpu.memref_slice %arg5[%dma_start3A_267, %dma_start3A_272] : memref<2x8192xf32, #tpu.memory_space<vmem>> -> memref<1x8192xf32, #tpu.memory_space<vmem>>
      %dma_start3A_274 = tpu.memref_squeeze %dma_start3A_273 : memref<1x8192xf32, #tpu.memory_space<vmem>> -> memref<8192xf32, #tpu.memory_space<vmem>>
      %dma_start3A_275 = tpu.memref_slice %arg3[%multiple_of3A_266] : memref<8388608xf32, #tpu.memory_space<hbm>> -> memref<8192xf32, #tpu.memory_space<hbm>>
      tpu.enqueue_dma source(%dma_start3A_275 : memref<8192xf32, #tpu.memory_space<hbm>>) target(%dma_start3A_274 : memref<8192xf32, #tpu.memory_space<vmem>>) target_semaphore(%arg7 : memref<!tpu.dma_semaphore, #tpu.memory_space<semaphore_mem>>)
      %dma_wait3A_276 = arith.constant 1 : i32
      %dma_wait3A_277 = arith.constant 0 : i32
      %dma_wait3A_278 = tpu.memref_slice %arg6[%arg1, %dma_wait3A_276, %dma_wait3A_277] : memref<16x2x32768xf32, #tpu.memory_space<vmem_shared>> -> memref<1x1x32768xf32, #tpu.memory_space<vmem_shared>>
      %dma_wait3A_279 = tpu.memref_squeeze %dma_wait3A_278 : memref<1x1x32768xf32, #tpu.memory_space<vmem_shared>> -> memref<32768xf32, #tpu.memory_space<vmem_shared>>
      %dma_wait3A_280 = arith.constant 0 : i32
      %dma_wait3A_281 = tpu.memref_slice %arg2[%dma_wait3A_280] : memref<33554432xf32, #tpu.memory_space<hbm>> -> memref<32768xf32, #tpu.memory_space<hbm>>
      tpu.wait_dma2 semaphore(%arg10 : memref<!tpu.dma_semaphore, #tpu.memory_space<semaphore_mem>>) src(%dma_wait3A_281 : memref<32768xf32, #tpu.memory_space<hbm>>) dst(%dma_wait3A_279 : memref<32768xf32, #tpu.memory_space<vmem_shared>>)
      %dma_wait3A_282 = arith.constant 1 : i32
      %dma_wait3A_283 = arith.constant 0 : i32
      %dma_wait3A_284 = tpu.memref_slice %arg5[%dma_wait3A_282, %dma_wait3A_283] : memref<2x8192xf32, #tpu.memory_space<vmem>> -> memref<1x8192xf32, #tpu.memory_space<vmem>>
      %dma_wait3A_285 = tpu.memref_squeeze %dma_wait3A_284 : memref<1x8192xf32, #tpu.memory_space<vmem>> -> memref<8192xf32, #tpu.memory_space<vmem>>
      %dma_wait3A_286 = arith.constant 0 : i32
      %dma_wait3A_287 = tpu.memref_slice %arg3[%dma_wait3A_286] : memref<8388608xf32, #tpu.memory_space<hbm>> -> memref<8192xf32, #tpu.memory_space<hbm>>
      %dma_wait3A_288 = arith.constant 0 : i32
      %dma_wait3A_289 = tpu.memref_slice %arg5[%dma_wait3A_282, %dma_wait3A_288] : memref<2x8192xf32, #tpu.memory_space<vmem>> -> memref<1x8192xf32, #tpu.memory_space<vmem>>
      %dma_wait3A_290 = tpu.memref_squeeze %dma_wait3A_289 : memref<1x8192xf32, #tpu.memory_space<vmem>> -> memref<8192xf32, #tpu.memory_space<vmem>>
      %dma_wait3A_291 = arith.constant 0 : i32
      %dma_wait3A_292 = tpu.memref_slice %arg3[%dma_wait3A_291] : memref<8388608xf32, #tpu.memory_space<hbm>> -> memref<8192xf32, #tpu.memory_space<hbm>>
      tpu.wait_dma2 semaphore(%arg8 : memref<!tpu.dma_semaphore, #tpu.memory_space<semaphore_mem>>) src(%dma_wait3A_292 : memref<8192xf32, #tpu.memory_space<hbm>>) dst(%dma_wait3A_290 : memref<8192xf32, #tpu.memory_space<vmem>>)
      %mul3A_293 = arith.constant 32 : i32
      %mul3A_294 = arith.muli %add3A, %mul3A_293 : i32
      %add3A_295 = arith.addi %mul3A_294, %add3A_241 : i32
      %mul3A_296 = arith.constant 32768 : i32
      %mul3A_297 = arith.muli %add3A_295, %mul3A_296 : i32
      %multiple_of3A_298 = tpu.assume_multiple %mul3A_297, 32768 : i32
      %dma_start3A_299 = arith.constant 1 : i32
      %dma_start3A_300 = tpu.memref_slice %arg4[%multiple_of3A_298] : memref<33554432xf32, #tpu.memory_space<hbm>> -> memref<32768xf32, #tpu.memory_space<hbm>>
      %dma_start3A_301 = arith.constant 0 : i32
      %dma_start3A_302 = tpu.memref_slice %arg6[%arg1, %dma_start3A_299, %dma_start3A_301] : memref<16x2x32768xf32, #tpu.memory_space<vmem_shared>> -> memref<1x1x32768xf32, #tpu.memory_space<vmem_shared>>
      %dma_start3A_303 = tpu.memref_squeeze %dma_start3A_302 : memref<1x1x32768xf32, #tpu.memory_space<vmem_shared>> -> memref<32768xf32, #tpu.memory_space<vmem_shared>>
      tpu.enqueue_dma source(%dma_start3A_303 : memref<32768xf32, #tpu.memory_space<vmem_shared>>) target(%dma_start3A_300 : memref<32768xf32, #tpu.memory_space<hbm>>) target_semaphore(%arg12 : memref<!tpu.dma_semaphore, #tpu.memory_space<semaphore_mem>>)
      %scan3A_304 = arith.constant 0 : i32
      scf.yield %scan3A_304 : i32
    }
    %scan3A_148 = arith.constant 15 : i32
    %dma_wait3A_149 = arith.constant 0 : i32
    %dma_wait3A_150 = arith.constant 0 : i32
    %dma_wait3A_151 = tpu.memref_slice %arg6[%arg1, %dma_wait3A_149, %dma_wait3A_150] : memref<16x2x32768xf32, #tpu.memory_space<vmem_shared>> -> memref<1x1x32768xf32, #tpu.memory_space<vmem_shared>>
    %dma_wait3A_152 = tpu.memref_squeeze %dma_wait3A_151 : memref<1x1x32768xf32, #tpu.memory_space<vmem_shared>> -> memref<32768xf32, #tpu.memory_space<vmem_shared>>
    %dma_wait3A_153 = arith.constant 0 : i32
    %dma_wait3A_154 = tpu.memref_slice %arg2[%dma_wait3A_153] : memref<33554432xf32, #tpu.memory_space<hbm>> -> memref<32768xf32, #tpu.memory_space<hbm>>
    tpu.wait_dma2 semaphore(%arg9 : memref<!tpu.dma_semaphore, #tpu.memory_space<semaphore_mem>>) src(%dma_wait3A_154 : memref<32768xf32, #tpu.memory_space<hbm>>) dst(%dma_wait3A_152 : memref<32768xf32, #tpu.memory_space<vmem_shared>>)
    %dma_wait3A_155 = arith.constant 0 : i32
    %dma_wait3A_156 = arith.constant 0 : i32
    %dma_wait3A_157 = tpu.memref_slice %arg5[%dma_wait3A_155, %dma_wait3A_156] : memref<2x8192xf32, #tpu.memory_space<vmem>> -> memref<1x8192xf32, #tpu.memory_space<vmem>>
    %dma_wait3A_158 = tpu.memref_squeeze %dma_wait3A_157 : memref<1x8192xf32, #tpu.memory_space<vmem>> -> memref<8192xf32, #tpu.memory_space<vmem>>
    %dma_wait3A_159 = arith.constant 0 : i32
    %dma_wait3A_160 = tpu.memref_slice %arg3[%dma_wait3A_159] : memref<8388608xf32, #tpu.memory_space<hbm>> -> memref<8192xf32, #tpu.memory_space<hbm>>
    %dma_wait3A_161 = arith.constant 0 : i32
    %dma_wait3A_162 = tpu.memref_slice %arg5[%dma_wait3A_155, %dma_wait3A_161] : memref<2x8192xf32, #tpu.memory_space<vmem>> -> memref<1x8192xf32, #tpu.memory_space<vmem>>
    %dma_wait3A_163 = tpu.memref_squeeze %dma_wait3A_162 : memref<1x8192xf32, #tpu.memory_space<vmem>> -> memref<8192xf32, #tpu.memory_space<vmem>>
    %dma_wait3A_164 = arith.constant 0 : i32
    %dma_wait3A_165 = tpu.memref_slice %arg3[%dma_wait3A_164] : memref<8388608xf32, #tpu.memory_space<hbm>> -> memref<8192xf32, #tpu.memory_space<hbm>>
    tpu.wait_dma2 semaphore(%arg7 : memref<!tpu.dma_semaphore, #tpu.memory_space<semaphore_mem>>) src(%dma_wait3A_165 : memref<8192xf32, #tpu.memory_space<hbm>>) dst(%dma_wait3A_163 : memref<8192xf32, #tpu.memory_space<vmem>>)
    %dma_wait3A_166 = arith.constant 1 : i32
    %dma_wait3A_167 = arith.constant 0 : i32
    %dma_wait3A_168 = tpu.memref_slice %arg4[%dma_wait3A_167] : memref<33554432xf32, #tpu.memory_space<hbm>> -> memref<32768xf32, #tpu.memory_space<hbm>>
    %dma_wait3A_169 = arith.constant 0 : i32
    %dma_wait3A_170 = tpu.memref_slice %arg6[%arg1, %dma_wait3A_166, %dma_wait3A_169] : memref<16x2x32768xf32, #tpu.memory_space<vmem_shared>> -> memref<1x1x32768xf32, #tpu.memory_space<vmem_shared>>
    %dma_wait3A_171 = tpu.memref_squeeze %dma_wait3A_170 : memref<1x1x32768xf32, #tpu.memory_space<vmem_shared>> -> memref<32768xf32, #tpu.memory_space<vmem_shared>>
    tpu.wait_dma2 semaphore(%arg12 : memref<!tpu.dma_semaphore, #tpu.memory_space<semaphore_mem>>) src(%dma_wait3A_171 : memref<32768xf32, #tpu.memory_space<vmem_shared>>) dst(%dma_wait3A_168 : memref<32768xf32, #tpu.memory_space<hbm>>)
    return
  }
}

</mosaic_0001>

<sc_bundles>
// kernel: kernel.3.cloned.1.call-start
scs
__scs_entry_jumppad:
0x0: {  	(pc) =	sbr.rel $0x88, $3  }
0x1: {  	(tag) =	ssettag $0x0;
	lr =	simm.s32 $0x1  }
0x2: {  	[smem:$0x3F9F] =	sst lr;
	_ =	strace $0xD0000000  }
0x3: {  	_ = 	snop  }
0x4: {  	_ = 	snop  }
0x5: {  	_ = 	snop  }
0x6: {  	_ = 	snop  }
0x7: {  	_ = 	snop  }
__scs_overlays_trampoline_lowered:
0x8: {  	[smem:$0x3FAE] =	sst s0  }
0x9: {  	[smem:$0x3FAF] =	sst s1  }
0xa: {  	[smem:$0x3FB0] =	sst s2  }
0xb: {  	[smem:$0x3FB1] =	sst s3  }
0xc: {  	[smem:$0x3FB2] =	sst s4  }
0xd: {  	[smem:$0x3FB3] =	sst s5  }
0xe: {  	[smem:$0x3FB4] =	sst s6  }
0xf: {  	[smem:$0x3FB5] =	sst s7  }
0x10: {  	[smem:$0x3FB6] =	sst s8  }
0x11: {  	[smem:$0x3FB7] =	sst s9;
	s0 =	simm.s32 @!p0 $0x0  }
0x12: {  	s1 =	sld [smem:$0x3F9D];
	s0 =	simm.s32 @p0 $0x1  }
0x13: {  	[smem:$0x3FB8] =	sst s0;
	s0 =	simm.s32 @!p1 $0x0  }
0x14: {  	s2 =	sld [smem:$0x3F9C];
	s0 =	simm.s32 @p1 $0x1  }
0x15: {  	[smem:$0x3FB9] =	sst s0;
	s0 =	simm.s32 @!p2 $0x0  }
0x16: {  	s3 =	sld [smem:$0x3FDB];
	s0 =	simm.s32 @p2 $0x1  }
0x17: {  	s4 =	simm.s32 $0x1BF5;
	[smem:$0x3FBB] =	sst s0  }
0x18: {  	s0 =	sld [smem:$0x3F9E];
	_ =	swait.ge [sflag:s4], $0x0  }
0x19: {  	s7 =	sld [smem:$0x3F9F]  }
0x1a: {  	s8 =	sadd.s32 $0xFFFFE003, lr  }
0x1b: {  	s9 =	sadd.s32 $0xFFFFFEF7, lr;
	s5 =	simm.s32 $0xFFFFFFFF;
	p2 =	slt.u32 s8, $0xFFFFF086  }
0x1c: {  	p1 =	slt.u32 s9, $0xF7A;
	s5 =	simm.s32 @!p2 $0x0  }
0x1d: {  	s5 =	simm.s32 @p1 $0x1;
	p0 =	seq.s32 s7, s2  }
0x1e: {  	s7 =	smul.u32 @!p0 $0xF7A, s2;
	p2 =	seq.s32 @!p0 s5, $0x0  }
0x1f: {  	s9 =	smul.u32 $0xF7A, s1;
	s8 =	simm.s32 @!p0 $0x1BF5;
	p2 =	por !p2, p0  }
0x20: {  	[sflag:s8] =	ssyncset.s32 @!p0 $0xFFFFF086;
	s6 =	sadd.s32 @!p0 s3, s7;
	s7 =	simm.s32 @!p0 $0x108  }
0x21: {  	s3 =	sadd.s32 s3, s9;
	s6 =	sadd.s32 @!p0 $0x88, s6;
	s7 =	simm.s32 @p2 $0x1082  }
0x22: {  	[simem:s7], [sflag:s8] =	dma.local @!p0 [hbm:s6], $0xF7A  }
0x23: {  	s9 =	sor.u32 $0xD0000000, s2;
	s6 =	simm.s32 $0x108;
	_ =	swait.ge @!p0 [sflag:s8], $0x0  }
0x24: {  	s3 =	sadd.s32 $0x88, s3;
	s6 =	simm.s32 @!p1 $0x1082;
	[sflag:s4] =	ssyncset.s32 $0xFFFFF086  }
0x25: {  	[simem:s6], [sflag:s4] =	dma.local [hbm:s3], $0xF7A  }
0x26: {  	[smem:$0x3F9F] =	sst s1;
	(tag) =	ssettag s2;
	_ =	strace s9  }
0x27: {  	s1 =	sld [smem:$0x3FAF]  }
0x28: {  	s2 =	sld [smem:$0x3FB0]  }
0x29: {  	s4 =	sld [smem:$0x3FB2]  }
0x2a: {  	p0 =	seq.s32 s5, $0x0;
	s5 =	sld [smem:$0x3FB3]  }
0x2b: {  	s6 =	sld [smem:$0x3FB4]  }
0x2c: {  	s7 =	sld [smem:$0x3FB5]  }
0x2d: {  	s3 =	simm.s32 $0x108;
	s8 =	sld [smem:$0x3FB6]  }
0x2e: {  	s3 =	simm.s32 @!p0 $0x1082;
	s9 =	sld [smem:$0x3FB7]  }
0x2f: {  	lr =	sadd.s32 s0, s3;
	s0 =	sld [smem:$0x3FAE]  }
0x30: {  	s3 =	sld [smem:$0x3FB1]  }
0x31: {  	[smem:$0x3FBA] =	sst s10  }
0x32: {  	s10 =	sld [smem:$0x3FB8];
	_ =	sdelay $0x3  }
0x33: {  	p0 =	seq.s32 s10, $0x1;
	s10 =	sld [smem:$0x3FBA];
	_ =	sdelay $0x3  }
0x34: {  	[smem:$0x3FBA] =	sst s10  }
0x35: {  	s10 =	sld [smem:$0x3FB9];
	_ =	sdelay $0x3  }
0x36: {  	p1 =	seq.s32 s10, $0x1;
	s10 =	sld [smem:$0x3FBA];
	_ =	sdelay $0x3  }
0x37: {  	[smem:$0x3FBA] =	sst s10  }
0x38: {  	s10 =	sld [smem:$0x3FBB]  }
0x39: {  	_ = 	snop;
	(pc) =	sbr.ind lr, $3  }
0x3a: {  	_ = 	snop  }
0x3b: {  	_ = 	snop  }
0x3c: {  	p2 =	seq.s32 s10, $0x1;
	s10 =	sld [smem:$0x3FBA]  }
0x3d: {  	_ =	shalt  }
0x3e: {  	_ =	shalt  }
0x3f: {  	_ =	shalt  }
0x40: {  	_ =	shalt  }
0x41: {  	_ =	shalt  }
0x42: {  	_ =	shalt  }
0x43: {  	_ =	shalt  }
0x44: {  	_ =	shalt  }
0x45: {  	_ =	shalt  }
0x46: {  	_ =	shalt  }
0x47: {  	_ =	shalt  }
0x48: {  	_ =	shalt  }
0x49: {  	_ =	shalt  }
0x4a: {  	_ =	shalt  }
0x4b: {  	_ =	shalt  }
0x4c: {  	_ =	shalt  }
0x4d: {  	_ =	shalt  }
0x4e: {  	_ =	shalt  }
0x4f: {  	_ =	shalt  }
0x50: {  	_ =	shalt  }
0x51: {  	_ =	shalt  }
0x52: {  	_ =	shalt  }
0x53: {  	_ =	shalt  }
0x54: {  	_ =	shalt  }
0x55: {  	_ =	shalt  }
0x56: {  	_ =	shalt  }
0x57: {  	_ =	shalt  }
0x58: {  	_ =	shalt  }
0x59: {  	_ =	shalt  }
0x5a: {  	_ =	shalt  }
0x5b: {  	_ =	shalt  }
0x5c: {  	_ =	shalt  }
0x5d: {  	_ =	shalt  }
0x5e: {  	_ =	shalt  }
0x5f: {  	_ =	shalt  }
0x60: {  	_ =	shalt  }
0x61: {  	_ =	shalt  }
0x62: {  	_ =	shalt  }
0x63: {  	_ =	shalt  }
0x64: {  	_ =	shalt  }
0x65: {  	_ =	shalt  }
0x66: {  	_ =	shalt  }
0x67: {  	_ =	shalt  }
0x68: {  	_ =	shalt  }
0x69: {  	_ =	shalt  }
0x6a: {  	_ =	shalt  }
0x6b: {  	_ =	shalt  }
0x6c: {  	_ =	shalt  }
0x6d: {  	_ =	shalt  }
0x6e: {  	_ =	shalt  }
0x6f: {  	_ =	shalt  }
0x70: {  	_ =	shalt  }
0x71: {  	_ =	shalt  }
0x72: {  	_ =	shalt  }
0x73: {  	_ =	shalt  }
0x74: {  	_ =	shalt  }
0x75: {  	_ =	shalt  }
0x76: {  	_ =	shalt  }
0x77: {  	_ =	shalt  }
0x78: {  	_ =	shalt  }
0x79: {  	_ =	shalt  }
0x7a: {  	_ =	shalt  }
0x7b: {  	_ =	shalt  }
0x7c: {  	_ =	shalt  }
0x7d: {  	_ =	shalt  }
0x7e: {  	_ =	shalt  }
0x7f: {  	_ =	shalt  }
0x80: {  	_ =	shalt  }
0x81: {  	_ =	shalt  }
0x82: {  	_ =	shalt  }
0x83: {  	_ =	shalt  }
0x84: {  	_ =	shalt  }
0x85: {  	_ =	shalt  }
0x86: {  	_ =	shalt  }
0x87: {  	_ =	shalt  }
.Lfunc_end0:
.L_simem_size_0:
called_computation.2_lowered:
.L_overlay_start_0:
0x88: {  	s2 =	sld [smem:$0x3FD9]  }
0x89: {  	s3 =	sld [smem:$0x3FFE];
	_ =	sdelay $0x1  }
0x8a: {  	s1 =	srdreg.scid  }
0x8b: {  	s0 =	sand.u32 $0x1, s1  }
0x8c: {  	s17 =	sshll.u32 s0, $0xA;
	s2 =	sadd.s32 s3, s2  }
0x8d: {  	s2 =	sadd.s32 s2, s17  }
0x8e: {  	[smem:$0x3FC6] =	sst s2  }
0x8f: {  	_ = 	snop  }
0x90: {  	s2 =	sld [smem:$0x3FD0];
	(tm) =	ssettm $0x1  }
0x91: {  	s18 =	sld [smem:$0x3FFB];
	_ =	sdelay $0x3  }
0x92: {  	_ =	strace s18  }
0x93: {  	s3 =	sld [smem:$0x3FFC];
	_ =	sdelay $0x3  }
0x94: {  	_ =	strace s3  }
0x95: {  	s3 =	sld [smem:$0x3FFD];
	_ =	sdelay $0x3  }
0x96: {  	_ =	strace s3  }
0x97: {  	_ =	strace $0x8FFFFFFF  }
0x98: {  	s19 =	sld [smem:$0x3FDB];
	_ =	sdelay $0x1  }
0x99: {  	s4 =	simm.s32 $_scs_section_size  }
0x9a: {  	s5 =	simm.s32 $_size__tile_overlayer_lowered;
	s6 =	simm.s32 $_tile_overlayer_lowered  }
0x9b: {  	s22 =	simm.s32 $0x1BFF;
	s21 =	sshll.u32 s6, $0x1;
	s3 =	sadd.s32 s4, s19  }
0x9c: {  	s7 =	simm.s32 $0x0;
	s20 =	sshll.u32 s5, $0x1;
	s5 =	sadd.s32 s21, s3  }
0x9d: {  	[timem:s7], [sflag:s22] =	dma.local [hbm:s5], s20  }
0x9e: {  	_ =	swait.ge [sflag:s22], s20  }
0x9f: {  	s4 =	ssub.s32 $0x0, s20;
	[sflag:s22] =	ssyncset.done $0x0  }
0xa0: {  	[sflag:s22] =	ssyncadd.s32 s4;
	_ =	sdelay $0x1  }
0xa1: {  	s23 =	simm.s32 $0x1B8B  }
0xa2: {  	_ =	swait.ge [sflag:s23], $0x1  }
0xa3: {  	[sflag:s23] =	ssyncset.done $0x0  }
0xa4: {  	s25 =	simm.s32 $0x1B8E;
	s24 =	sld [smem:$0x3FFE];
	[sflag:s23] =	ssyncadd.s32 $0xFFFFFFFF  }
0xa5: {  	s26 =	simm.s32 $execute0_lowered;
	[smem:$0x3FD2] =	sst s25  }
0xa6: {  	s5 =	sshll.u32 s26, $0x1;
	_ =	strace $0x8000004C;
	[dreg:$0x1] =	wrdreg $0xFFFFFFFF  }
0xa7: {  	s28 =	simm.s32 $_size_execute0_lowered;
	s3 =	sadd.s32 s3, s5;
	[dreg:$0x0] =	wrdreg $0x0  }
0xa8: {  	s5 =	sshll.u32 s28, $0x1;
	[dreg:$0x2] =	wrdreg s3  }
0xa9: {  	[dreg:$0x3] =	wrdreg s5  }
0xaa: {  	[dreg:$0x4] =	wrdreg $0xC0  }
0xab: {  	_ =	task [dreg:s7], $0x5FFFF  }
0xac: {  	[dreg:$0x1] =	wrdreg $0xFFFFFFFF  }
0xad: {  	[dreg:$0x0] =	wrdreg $0x60  }
0xae: {  	[dreg:$0x2] =	wrdreg s2  }
0xaf: {  	[dreg:$0x3] =	wrdreg s24  }
0xb0: {  	[dreg:$0x4] =	wrdreg $0x40000  }
0xb1: {  	[dreg:$0x5] =	wrdreg $0x9  }
0xb2: {  	_ =	task.clear_ibuf [dreg:s7], $0x6FFFF;
	_ =	strace $0x9000004C  }
0xb3: {  	s29 =	simm.s32 $0x9;
	_ =	strace $0x8000004E  }
0xb4: {  	_ =	swait.ge [sflag:s29], $0x1  }
0xb5: {  	[sflag:s29] =	ssyncadd.s32 $0xFFFFFFFF  }
0xb6: {  	_ =	strace $0x9000004E  }
0xb7: {  	_ =	sfence  }
0xb8: {  	s30 =	sld [smem:$0x0];
	_ =	sdelay $0x2  }
0xb9: {  	s31 =	sshll.u32 s1, $0xD;
	s1 =	sshrl.u32 s1, $0x2  }
0xba: {  	s3 =	sand.u32 $0x4000, s31;
	s1 =	sadd.s32 s1, s30  }
0xbb: {  	s0 =	sor.u32 s3, s0;
	s1 =	sshll.u32 s1, $0x11  }
0xbc: {  	s0 =	sor.u32 s1, s0  }
0xbd: {  	s0 =	sadd.s32 $0x8F2B, s0  }
0xbe: {  	[sflag:s0] =	ssyncadd.remote.s32 $0x1  }
0xbf: {  	_ =	sfence.sel $0xFFFF  }
0xc0: {  	[dreg:$0x0] =	wrdreg $0xFFFFFFFF;
	(pc) =	sbr.abs _section_cstart, $3  }
0xc1: {  	[dreg:$0x1] =	wrdreg $0xFFFFFFFF  }
0xc2: {  	_ =	task.clear_ibuf [dreg:s7], $0x2FFFF;
	_ =	strace $0x9FFFFFFF  }
0xc3: {  	(tm) =	ssettm $0x7FFFFFFF  }
tec
execute0_lowered:
.L_overlay_start_1:
0x0: {  	(tag) =	ssettag $0x1  }
0x1: {  	s1 =	rddreg [dreg:$0x0]  }
0x2: {  	s0 =	rddreg [dreg:$0x1]  }
0x3: {  	s2 =	rddreg [dreg:$0x2];
	s3 =	simm.s32 $0x0;
	s4 =	srdreg.scid  }
0x4: {  	s9 =	stileid.u32;
	s21 =	simm.s32 $0x1;
	s28 =	simm.s32 $0x2  }
0x5: {  	s29 =	simm.s32 $0x6;
	[smem:$0x7FF] =	sst s3;
	s6 =	sand.u32 $0x1, s4  }
0x6: {  	s4 =	sadd.s32 $0xC00, s0;
	s8 =	sshll.u32 s9, $0x1;
	s5 =	sadd.s32 $0x100C00, s0  }
0x7: {  	s23 =	sshll.u32 s9, $0x10;
	s15 =	sshll.u32 s9, $0x6;
	_ =	strace $0x8000004D  }
0x8: {  	s7 =	ssub.s32 $0x2, s6;
	s8 =	sor.u32 s6, s8;
	s2 =	sadd.s32 s23, s2  }
0x9: {  	s9 =	sor.u32 $0x1C03, s15;
	s23 =	simm.s32 $0x10;
	[dreg:$0x4] =	wrdreg s15  }
0xa: {  	s22 =	sshrl.u32 s7, $0x1;
	s6 =	sshll.u32 s8, $0x12;
	s24 =	sshll.u32 s8, $0x11  }
0xb: {  	s10 =	sshll.u32 s8, $0xF;
	s11 =	sshll.u32 s8, $0x5;
	s13 =	sadd.s32 $0x80, s2  }
0xc: {  	s20 =	sshrl.u32 s2, $0x3;
	s2 =	simm.s32 $0x0;
	s0 =	ssub.s32 s7, s22  }
0xd: {  	s12 =	sadd.s32 s1, s24;
	[dreg:$0x6] =	wrdreg s13;
	s7 =	sadd.s32 s5, s24  }
0xe: {  	s10 =	sadd.s32 s4, s10;
	s25 =	sor.u32 $0x1000, s24;
	[dreg:$0x8] =	wrdreg s7  }
0xf: {  	s22 =	simm.s32 $0x20;
	s26 =	sadd.s32 s1, s25;
	[dreg:$0x5] =	wrdreg s12  }
0x10: {  	s24 =	simm.s32 $0x3;
	s30 =	sadd.s32 $0x2000, s12;
	[dreg:$0x7] =	wrdreg s26  }
0x11: {  	s14 =	sadd.s32 $0x400, s10;
	s31 =	sadd.s32 s5, s25;
	[dreg:$0x9] =	wrdreg s30  }
0x12: {  	s17 =	sadd.s32 $0x800, s10;
	s0 =	smax.u32 s0, $0x1;
	[dreg:$0xa] =	wrdreg s31  }
0x13: {  	s25 =	simm.s32 $0x5;
	[dreg:$0xb] =	wrdreg s0;
	s26 =	simm.s32 $0x4  }
.LBB2_1:
0x14: {  	[dreg:$0xc] =	wrdreg s2  }
0x15: {  	s0 =	rddreg [dreg:$0x5];
	s8 =	sadd.s32 $0x0, s10  }
0x16: {  	[spmem:s20@s22], [sflag:s9] =	dma.strided [hbm:s0@s23], $0x1000, s21, $0x10   }
0x17: {  	s2 =	simm.s32 $0x100;
	s7 =	simm.s32 $0x0;
	s0 =	simm.s32 $0x10  }
.LBB2_2:
0x18: {  	[tilespmem:s7], [sflag:$0x1] =	stream.linear.gather [hbm4b:s8+s3], $0x80, $0x38;
	[tilespmem:$0x14000] =	vst v63  }
0x19: {  	s8 =	smov.u32 s0;
	s7 =	smov.u32 s2;
	p0 =	sne.s32 s0, $0x3F0  }
.Ltmp0:
0x1a: {  	s0 =	sadd.s32 $0x10, s0;
	(pc) =	sbr.rel @p0 .LBB2_2-.Ltmp0, $2  }
0x1b: {  	_ =	sdelay $0x2  }
0x1c: {  	s2 =	sadd.s32 $0x100, s2;
	s8 =	sadd.s32 s8, s10  }
0x1d: {  	[tilespmem:s7], [sflag:$0x1] =	stream.linear.gather [hbm4b:s8+s3], $0x80, $0x38;
	[tilespmem:$0x14000] =	vst v63  }
0x1e: {  	s31 =	sor.u32 $0x1C04, s15;
	s0 =	rddreg [dreg:$0x6]  }
0x1f: {  	s2 =	rddreg [dreg:$0x7];
	s8 =	simm.s32 $0x10;
	s0 =	sshrl.u32 s0, $0x3  }
0x20: {  	[spmem:s0@s22], [sflag:s31] =	dma.strided [hbm:s2@s23], $0x1000, s21, $0x10   }
0x21: {  	s7 =	sadd.s32 $0x0, s14;
	s12 =	simm.s32 $0x180;
	s2 =	simm.s32 $0x80  }
.LBB2_4:
0x22: {  	[tilespmem:s2], [sflag:$0x2] =	stream.linear.gather [hbm4b:s7+s3], $0x80, $0x38;
	[tilespmem:$0x14000] =	vst v63  }
0x23: {  	s7 =	smov.u32 s8;
	s2 =	smov.u32 s12;
	p0 =	sne.s32 s8, $0x3F0  }
.Ltmp1:
0x24: {  	s8 =	sadd.s32 $0x10, s8;
	(pc) =	sbr.rel @p0 .LBB2_4-.Ltmp1, $2  }
0x25: {  	_ =	sdelay $0x2  }
0x26: {  	s12 =	sadd.s32 $0x100, s12;
	s7 =	sadd.s32 s7, s14  }
0x27: {  	[tilespmem:s2], [sflag:$0x2] =	stream.linear.gather [hbm4b:s7+s3], $0x80, $0x38;
	[tilespmem:$0x14000] =	vst v63  }
0x28: {  	_ =	swait.ge [sflag:s24], $0x1000  }
0x29: {  	[sflag:s24] =	ssyncset.done $0x0  }
0x2a: {  	[sflag:s24] =	ssyncadd.s32 $0xFFFFF000  }
0x2b: {  	_ =	swait.ge [sflag:s21], $0x2000  }
0x2c: {  	[sflag:s21] =	ssyncset.done $0x0  }
0x2d: {  	s2 =	sor.u32 $0x1C05, s15;
	s19 =	rddreg [dreg:$0x8];
	[sflag:s21] =	ssyncadd.s32 $0xFFFFE000  }
0x2e: {  	[hbm:s19@s23], [sflag:s2] =	dma.strided [spmem:s20@s22], $0x1000, s21, $0x10   }
0x2f: {  	s8 =	simm.s32 $0x0;
	_ =	swait.ge [sflag:s25], $0x1000  }
0x30: {  	s12 =	simm.s32 $0x10;
	s7 =	sadd.s32 $0x0, s17;
	[sflag:s25] =	ssyncset.done $0x0  }
0x31: {  	s13 =	simm.s32 $0x100;
	s30 =	rddreg [dreg:$0x9];
	[sflag:s25] =	ssyncadd.s32 $0xFFFFF000  }
0x32: {  	[spmem:s20@s22], [sflag:s9] =	dma.strided [hbm:s30@s23], $0x1000, s21, $0x10   }
.LBB2_6:
0x33: {  	[tilespmem:s8], [sflag:$0x1] =	stream.linear.gather [hbm4b:s7+s3], $0x80, $0x38;
	[tilespmem:$0x14000] =	vst v63  }
0x34: {  	s7 =	smov.u32 s12;
	s8 =	smov.u32 s13;
	p0 =	sne.s32 s12, $0x3F0  }
.Ltmp2:
0x35: {  	s12 =	sadd.s32 $0x10, s12;
	(pc) =	sbr.rel @p0 .LBB2_6-.Ltmp2, $2  }
0x36: {  	_ =	sdelay $0x2  }
0x37: {  	s13 =	sadd.s32 $0x100, s13;
	s7 =	sadd.s32 s7, s17  }
0x38: {  	[tilespmem:s8], [sflag:$0x1] =	stream.linear.gather [hbm4b:s7+s3], $0x80, $0x38;
	[tilespmem:$0x14000] =	vst v63  }
0x39: {  	_ =	swait.ge [sflag:s26], $0x1000  }
0x3a: {  	[sflag:s26] =	ssyncset.done $0x0  }
0x3b: {  	[sflag:s26] =	ssyncadd.s32 $0xFFFFF000  }
0x3c: {  	_ =	swait.ge [sflag:s28], $0x2000  }
0x3d: {  	s12 =	sor.u32 $0x1C06, s15;
	[sflag:s28] =	ssyncset.done $0x0  }
0x3e: {  	s13 =	simm.s32 $0x1;
	s30 =	rddreg [dreg:$0xa];
	[sflag:s28] =	ssyncadd.s32 $0xFFFFE000  }
0x3f: {  	[hbm:s30@s23], [sflag:s12] =	dma.strided [spmem:s0@s22], $0x1000, s13, $0x10   }
.LBB2_8:
0x40: {  	s7 =	sshllo.u32 s13, $0x1;
	_ =	swait.ge [sflag:s29], $0x1000  }
0x41: {  	s18 =	simm.s32 $0x80;
	s8 =	sadd.s32 s11, s7;
	s7 =	sshll.u32 s7, $0xD  }
0x42: {  	s19 =	simm.s32 $0x10;
	s8 =	sshll.u32 s8, $0xC;
	s7 =	sadd.s32 s6, s7  }
0x43: {  	[sflag:s29] =	ssyncset.done $0x0;
	s8 =	sand.u32 $0x1FFFF000, s8;
	s7 =	sshrl.u32 s7, $0x3  }
0x44: {  	[sflag:s29] =	ssyncadd.s32 $0xFFFFF000;
	s15 =	sadd.s32 s1, s8;
	s16 =	sadd.s32 s4, s7  }
0x45: {  	[spmem:s0@s22], [sflag:s31] =	dma.strided [hbm:s15@s23], $0x1000, s21, $0x10   }
0x46: {  	s7 =	simm.s32 $0x180;
	s15 =	sshll.u32 s13, $0x1;
	s30 =	sadd.s32 $0x0, s16  }
.LBB2_9:
0x47: {  	[tilespmem:s18], [sflag:$0x2] =	stream.linear.gather [hbm4b:s30+s3], $0x80, $0x38;
	[tilespmem:$0x14000] =	vst v63  }
0x48: {  	s30 =	smov.u32 s19;
	s18 =	smov.u32 s7;
	p0 =	sne.s32 s19, $0x3F0  }
.Ltmp3:
0x49: {  	s19 =	sadd.s32 $0x10, s19;
	(pc) =	sbr.rel @p0 .LBB2_9-.Ltmp3, $2  }
0x4a: {  	_ =	sdelay $0x2  }
0x4b: {  	s7 =	sadd.s32 $0x100, s7;
	s30 =	sadd.s32 s30, s16  }
0x4c: {  	[tilespmem:s18], [sflag:$0x2] =	stream.linear.gather [hbm4b:s30+s3], $0x80, $0x38;
	[tilespmem:$0x14000] =	vst v63  }
0x4d: {  	_ =	swait.ge [sflag:s24], $0x1000  }
0x4e: {  	[sflag:s24] =	ssyncset.done $0x0  }
0x4f: {  	s7 =	sadd.s32 s11, s15;
	[sflag:s24] =	ssyncadd.s32 $0xFFFFF000  }
0x50: {  	s7 =	sshll.u32 s7, $0xC;
	_ =	swait.ge [sflag:s21], $0x2000  }
0x51: {  	s7 =	sand.u32 $0x1FFFE000, s7;
	[sflag:s21] =	ssyncset.done $0x0  }
0x52: {  	s19 =	sadd.s32 $0x2, s15;
	s7 =	sadd.s32 s5, s7;
	[sflag:s21] =	ssyncadd.s32 $0xFFFFE000  }
0x53: {  	[hbm:s7@s23], [sflag:s2] =	dma.strided [spmem:s20@s22], $0x1000, s21, $0x10   }
0x54: {  	s7 =	sand.u32 $0x1E, s19  }
0x55: {  	s30 =	sor.u32 s11, s7  }
0x56: {  	_ =	swait.ge [sflag:s25], $0x1000;
	s7 =	sshll.u32 s7, $0xD;
	s15 =	sshll.u32 s30, $0xC  }
0x57: {  	[sflag:s25] =	ssyncset.done $0x0;
	s7 =	sor.u32 s6, s7;
	s15 =	sand.u32 $0x3FE000, s15  }
0x58: {  	[sflag:s25] =	ssyncadd.s32 $0xFFFFF000;
	s7 =	sshrl.u32 s7, $0x3;
	s15 =	sadd.s32 s1, s15  }
0x59: {  	[spmem:s20@s22], [sflag:s9] =	dma.strided [hbm:s15@s23], $0x1000, s21, $0x10   }
0x5a: {  	s16 =	simm.s32 $0x0;
	s15 =	sadd.s32 s4, s7  }
0x5b: {  	s18 =	simm.s32 $0x10;
	s7 =	simm.s32 $0x100;
	s19 =	sadd.s32 $0x0, s15  }
.LBB2_11:
0x5c: {  	[tilespmem:s16], [sflag:$0x1] =	stream.linear.gather [hbm4b:s19+s3], $0x80, $0x38;
	[tilespmem:$0x14000] =	vst v63  }
0x5d: {  	s19 =	smov.u32 s18;
	s16 =	smov.u32 s7;
	p0 =	sne.s32 s18, $0x3F0  }
.Ltmp4:
0x5e: {  	s18 =	sadd.s32 $0x10, s18;
	(pc) =	sbr.rel @p0 .LBB2_11-.Ltmp4, $2  }
0x5f: {  	_ =	sdelay $0x2  }
0x60: {  	s7 =	sadd.s32 $0x100, s7;
	s19 =	sadd.s32 s19, s15  }
0x61: {  	[tilespmem:s16], [sflag:$0x1] =	stream.linear.gather [hbm4b:s19+s3], $0x80, $0x38;
	[tilespmem:$0x14000] =	vst v63  }
0x62: {  	s13 =	sadd.s32 $0x1, s13;
	_ =	swait.ge [sflag:s26], $0x1000  }
0x63: {  	p0 =	sne.s32 s13, $0x10;
	[sflag:s26] =	ssyncset.done $0x0  }
.Ltmp5:
0x64: {  	[sflag:s26] =	ssyncadd.s32 $0xFFFFF000;
	(pc) =	sbr.rel @p0 .LBB2_8-.Ltmp5, $4  }
0x65: {  	_ =	swait.ge [sflag:s28], $0x2000  }
0x66: {  	[sflag:s28] =	ssyncset.done $0x0  }
0x67: {  	s7 =	sadd.s32 s5, s8;
	[sflag:s28] =	ssyncadd.s32 $0xFFFFE000  }
0x68: {  	[hbm:s7@s23], [sflag:s12] =	dma.strided [spmem:s0@s22], $0x1000, s21, $0x10   }
0x69: {  	_ =	swait.ge [sflag:s24], $0x1000  }
0x6a: {  	[sflag:s24] =	ssyncset.done $0x0  }
0x6b: {  	[sflag:s24] =	ssyncadd.s32 $0xFFFFF000  }
0x6c: {  	_ =	swait.ge [sflag:s21], $0x2000  }
0x6d: {  	[sflag:s21] =	ssyncset.done $0x0  }
0x6e: {  	[sflag:s21] =	ssyncadd.s32 $0xFFFFE000  }
0x6f: {  	_ =	swait.ge [sflag:s29], $0x1000  }
0x70: {  	s2 =	rddreg [dreg:$0xc]  }
0x71: {  	s0 =	rddreg [dreg:$0xb];
	s2 =	sadd.s32 $0x1, s2  }
0x72: {  	p0 =	sne.s32 s2, s0  }
.Ltmp6:
0x73: {  	_ = 	snop;
	(pc) =	sbr.rel @p0 .LBB2_1-.Ltmp6, $3  }
0x74: {  	_ =	sdelay $0x1  }
0x75: {  	[sflag:s29] =	ssyncset.done $0x0  }
0x76: {  	s15 =	rddreg [dreg:$0x4];
	[sflag:s29] =	ssyncadd.s32 $0xFFFFF000  }
0x77: {  	_ =	sfence.sel $0x180000  }
0x78: {  	[bflag:$0x0] =	sbarrier.arrive $0xFFFF  }
0x79: {  	_ =	strace $0x9000004D  }
0x7a: {  	s0 =	stileid.u32;
	[bflag:$0x2] =	sbarrier.arrive $0xFFFF  }
0x7b: {  	p0 =	sne.s32 s0, $0x0;
	s0 =	rddreg [dreg:$0x3]  }
0x7c: {  	s0 =	sadd.s32 @!p0 $0x100000, s0  }
0x7d: {  	[sflag:s0] =	ssyncadd.tile.s32 @!p0 $0x1;
	_ =	shalt  }
.Lfunc_end2:
_tile_overlayer_lowered:
.L_overlay_start_2:
0x7e: {  	(tag) =	ssettag $0x2  }
0x7f: {  	s0 =	rddreg [dreg:$0x0];
	s2 =	stileid.u32  }
0x80: {  	s1 =	rddreg [dreg:$0x1];
	p0 =	sne.s32 s2, $0x0  }
0x81: {  	s3 =	rddreg [dreg:$0x2];
	[bflag:$0x3] =	sbarrier.arrive $0xFFFF;
	s2 =	simm.s32 @!p0 $0x1C07  }
0x82: {  	[timem:s3], [sflag:s2] =	dma.local @!p0 [hbm:s0], s1  }
0x83: {  	s0 =	simm.s32 @!p0 $0x7  }
0x84: {  	_ =	swait.ge @!p0 [sflag:s0], s1  }
0x85: {  	s1 =	ssub.s32 @!p0 $0x0, s1;
	[sflag:s0] =	ssyncset.done @!p0 $0x0  }
0x86: {  	[sflag:s0] =	ssyncadd.s32 @!p0 s1  }
0x87: {  	[bflag:$0x3] =	sbarrier.arrive $0xFFFF  }
0x88: {  	_ =	shalt  }

// kernel: sparse-core-data-format-call.1.cloned.1.call-start
scs
called_computation.1_lowered:
.L_overlay_start_0:
0x0: {  	s2 =	sld [smem:$0x3FD9]  }
0x1: {  	s3 =	sld [smem:$0x3FFE];
	_ =	sdelay $0x1  }
0x2: {  	s1 =	srdreg.scid  }
0x3: {  	s0 =	sand.u32 $0x1, s1  }
0x4: {  	s19 =	sshll.u32 s0, $0xA;
	s2 =	sadd.s32 s3, s2  }
0x5: {  	s2 =	sadd.s32 s2, s19  }
0x6: {  	[smem:$0x3FC6] =	sst s2  }
0x7: {  	_ = 	snop  }
0x8: {  	s20 =	sld [smem:$0x3FC9]  }
0x9: {  	s4 =	sld [smem:$0x3FD0];
	(tm) =	ssettm $0x1  }
0xa: {  	s21 =	sld [smem:$0x3FFB];
	_ =	sdelay $0x3  }
0xb: {  	_ =	strace s21  }
0xc: {  	s2 =	sld [smem:$0x3FFC];
	_ =	sdelay $0x3  }
0xd: {  	_ =	strace s2  }
0xe: {  	s2 =	sld [smem:$0x3FFD];
	_ =	sdelay $0x3  }
0xf: {  	_ =	strace s2  }
0x10: {  	_ =	strace $0x8FFFFFFF  }
0x11: {  	s22 =	sld [smem:$0x3FDB];
	_ =	sdelay $0x1  }
0x12: {  	s5 =	simm.s32 $_scs_section_size  }
0x13: {  	s6 =	simm.s32 $_size__tile_overlayer_lowered;
	s7 =	simm.s32 $_tile_overlayer_lowered  }
0x14: {  	s8 =	simm.s32 $0x1BFF;
	s23 =	sshll.u32 s7, $0x1;
	s5 =	sadd.s32 s5, s22  }
0x15: {  	s24 =	simm.s32 $0x0;
	s6 =	sshll.u32 s6, $0x1;
	s7 =	sadd.s32 s23, s5  }
0x16: {  	[timem:s24], [sflag:s8] =	dma.local [hbm:s7], s6  }
0x17: {  	_ =	swait.ge [sflag:s8], s6  }
0x18: {  	s6 =	ssub.s32 $0x0, s6;
	[sflag:s8] =	ssyncset.done $0x0  }
0x19: {  	[sflag:s8] =	ssyncadd.s32 s6;
	_ =	sdelay $0x1  }
0x1a: {  	s25 =	simm.s32 $0x1B8B  }
0x1b: {  	_ =	swait.ge [sflag:s25], $0x1  }
0x1c: {  	[sflag:s25] =	ssyncset.done $0x0  }
0x1d: {  	[sflag:s25] =	ssyncadd.s32 $0xFFFFFFFF  }
0x1e: {  	s6 =	sld [smem:$0x0]  }
0x1f: {  	s7 =	sand.u32 $0xFFFFFFFE, s1  }
0x20: {  	p0 =	sne.s32 s1, s7  }
0x21: {  	s7 =	sshll.u32 @p0 s7, $0xE  }
0x22: {  	s7 =	sadd.s32 @p0 $0x11B8D, s7;
	s8 =	sshll.u32 @p0 s6, $0x11  }
0x23: {  	s7 =	sor.u32 @p0 s8, s7  }
0x24: {  	[sflag:s7] =	ssyncadd.remote.s32 @p0 $0x1;
	_ =	sdelay $0x1  }
0x25: {  	s7 =	simm.s32 @p0 $0x1B8D  }
0x26: {  	_ =	swait.eq @p0 [sflag:s7], $0x1  }
0x27: {  	[sflag:s7] =	ssyncadd.s32 @p0 $0xFFFFFFFF  }
0x28: {  	s8 =	sshll.u32 @!p0 s1, $0xE  }
0x29: {  	s8 =	sor.u32 @!p0 $0x4000, s8;
	s7 =	simm.s32 @!p0 $0x1B8D  }
0x2a: {  	s6 =	sshll.u32 @!p0 s6, $0x11;
	s8 =	sadd.s32 @!p0 $0x11B8D, s8;
	_ =	swait.eq @!p0 [sflag:s7], $0x1  }
0x2b: {  	s6 =	sor.u32 @!p0 s6, s8;
	[sflag:s7] =	ssyncadd.s32 @!p0 $0xFFFFFFFF  }
0x2c: {  	s26 =	simm.s32 $0x1B8E;
	[sflag:s6] =	ssyncadd.remote.s32 @!p0 $0x1  }
0x2d: {  	s27 =	simm.s32 $execute0_lowered;
	[smem:$0x3FD2] =	sst s26  }
0x2e: {  	s6 =	sshll.u32 s27, $0x1;
	_ =	strace $0x80000049;
	[dreg:$0x1] =	wrdreg $0xFFFFFFFF  }
0x2f: {  	s28 =	simm.s32 $_size_execute0_lowered;
	s5 =	sadd.s32 s5, s6;
	[dreg:$0x0] =	wrdreg $0x0  }
0x30: {  	s6 =	sshll.u32 s28, $0x1;
	[dreg:$0x2] =	wrdreg s5  }
0x31: {  	[dreg:$0x3] =	wrdreg s6  }
0x32: {  	[dreg:$0x4] =	wrdreg $0xC0  }
0x33: {  	_ =	task [dreg:s24], $0x5FFFF  }
0x34: {  	[dreg:$0x1] =	wrdreg $0xFFFFFFFF  }
0x35: {  	[dreg:$0x0] =	wrdreg $0x60  }
0x36: {  	[dreg:$0x2] =	wrdreg s20  }
0x37: {  	[dreg:$0x3] =	wrdreg s4  }
0x38: {  	[dreg:$0x4] =	wrdreg $0xA  }
0x39: {  	_ =	task.clear_ibuf [dreg:s24], $0x5FFFF;
	_ =	strace $0x90000049  }
0x3a: {  	s29 =	simm.s32 $0xA;
	_ =	strace $0x8000004B  }
0x3b: {  	_ =	swait.ge [sflag:s29], $0x1  }
0x3c: {  	[sflag:s29] =	ssyncadd.s32 $0xFFFFFFFF  }
0x3d: {  	_ =	strace $0x9000004B  }
0x3e: {  	_ =	sfence  }
0x3f: {  	s30 =	sld [smem:$0x0];
	_ =	sdelay $0x2  }
0x40: {  	s31 =	sshll.u32 s1, $0xD;
	s1 =	sshrl.u32 s1, $0x2  }
0x41: {  	s4 =	sand.u32 $0x4000, s31;
	s1 =	sadd.s32 s1, s30  }
0x42: {  	s0 =	sor.u32 s4, s0;
	s1 =	sshll.u32 s1, $0x11  }
0x43: {  	s0 =	sor.u32 s1, s0  }
0x44: {  	s0 =	sadd.s32 $0x8F2B, s0  }
0x45: {  	[sflag:s0] =	ssyncadd.remote.s32 $0x1  }
0x46: {  	_ =	sfence.sel $0xFFFF  }
0x47: {  	[dreg:$0x0] =	wrdreg $0xFFFFFFFF;
	(pc) =	sbr.abs _section_cstart, $3  }
0x48: {  	[dreg:$0x1] =	wrdreg $0xFFFFFFFF  }
0x49: {  	_ =	task.clear_ibuf [dreg:s24], $0x2FFFF;
	_ =	strace $0x9FFFFFFF  }
0x4a: {  	(tm) =	ssettm $0x7FFFFFFF  }
0x4b: {  	_ =	shalt  }
tec
execute0_lowered:
.L_overlay_start_1:
0x0: {  	(tag) =	ssettag $0x1  }
0x1: {  	s0 =	srdreg.scid  }
0x2: {  	s1 =	sshll.u32 s0, $0x4  }
0x3: {  	s2 =	rddreg [dreg:$0x0];
	s0 =	stileid.u32;
	s1 =	sand.u32 $0x10, s1  }
0x4: {  	s4 =	rddreg [dreg:$0x1];
	s1 =	sor.u32 s0, s1  }
0x5: {  	s7 =	simm.s32 $0x1;
	s8 =	simm.s32 $0x2;
	s3 =	sshll.u32 s1, $0x1  }
0x6: {  	s9 =	simm.s32 $0x0;
	s12 =	simm.s32 $0x0;
	s6 =	ssub.s32 $0x1000, s3  }
.Ltmp0:
0x7: {  	s11 =	simm.s32 $0x0;
	s5 =	sand.u32 $0x3E, s6;
	(pc) =	sbr.rel .LBB1_1-.Ltmp0, $4  }
0x8: {  	s1 =	rddreg [dreg:$0x2];
	_ =	strace $0x8000004A;
	p0 =	sne.s32 s5, $0x0  }
0x9: {  	s6 =	sshrl.u32 s6, $0x6;
	s5 =	simm.s32 $0x1;
	s7 =	simm.s32 @!p0 $0x0  }
0xa: {  	s10 =	smov.u32 s3;
	[sflag:s5] =	ssyncpa.u1 $0x0;
	s6 =	sadd.s32 s7, s6  }
0xb: {  	[sflag:s8] =	ssyncpa.u1 $0x0;
	s8 =	simm.s32 $0x0;
	s7 =	sadd.s32 $0x1, s6  }
.LBB1_9:
0xc: {  	s14 =	sadd.s32 $0x40, s10  }
0xd: {  	p1 =	sgt.s32 s14, $0xFFF  }
0xe: {  	s14 =	smov.u32 @p1 s3;
	p1 =	sne.s32 s11, s7  }
.Ltmp1:
0xf: {  	p0 =	slt.u32 s11, $0x2;
	(pc) =	sbr.rel @!p1 .LBB1_10-.Ltmp1, $4  }
0x10: {  	s13 =	simm.s32 @!p0 $0x2  }
0x11: {  	s15 =	sadd.s32 $0x1, s11;
	_ =	swait.ge @!p0 [sflag:s13], $0x4000  }
0x12: {  	s12 =	smov.u32 s10;
	s9 =	sadd.s32 $0x4000, s9;
	[sflag:s13] =	ssyncset.done @!p0 $0x0  }
0x13: {  	s11 =	smov.u32 s15;
	s10 =	smov.u32 s14;
	[sflag:s13] =	ssyncadd.s32 @!p0 $0xFFFFC000  }
.LBB1_1:
0x14: {  	p0 =	sge.u32 s11, s6  }
0x15: {  	s13 =	sxor.u32 @!p0 $0xFFFFFFFF, s11  }
0x16: {  	s31 =	sadd.s32 $0xFFFFFFFF, s11;
	s14 =	sshll.u32 @!p0 s10, $0xA;
	s13 =	sshll.u32 @!p0 s13, $0xE  }
0x17: {  	s15 =	simm.s32 @!p0 $0x0;
	s14 =	sadd.s32 @!p0 s2, s14;
	s13 =	sand.u32 @!p0 $0x4000, s13  }
0x18: {  	[tilespmem:s13], [sflag:$0x1] =	stream.linear.gather @!p0 [hbm4b:s14+s15], $0x4000, $0x38;
	[tilespmem:$0x10000] =	vst v63  }
0x19: {  	p0 =	sge.u32 s31, s6  }
.Ltmp2:
0x1a: {  	_ = 	snop;
	(pc) =	sbr.rel @p0 .LBB1_9-.Ltmp2, $1  }
0x1b: {  	_ =	sdelay $0x3  }
0x1c: {  	s13 =	sshll.u32 s9, $0x2  }
0x1d: {  	_ =	swait.ge [sflag:s5], $0x4000;
	s14 =	sshll.u32 s11, $0xE;
	s16 =	simm.s32 $0x0  }
0x1e: {  	p1 =	por $0x1, $0x1;
	s13 =	sand.u32 $0x10000, s13;
	[sflag:s5] =	ssyncset.done $0x0  }
0x1f: {  	s14 =	sand.u32 $0x4000, s14;
	s15 =	sshrl.u32 s13, $0x2;
	[sflag:s5] =	ssyncadd.s32 $0xFFFFC000  }
0x20: {  	s13 =	sor.u32 $0x8000, s14;
	s14 =	sadd.s32 $0x8040, s15;
	s15 =	sadd.s32 $0x40, s15  }
.LBB1_3:
0x21: {  	s16 =	sshll.u32 s16, $0x2  }
0x22: {  	p0 =	por p1, p1;
	s17 =	sshra.s32 s16, $0x2  }
0x23: {  	s18 =	simm.s32 $0x0;
	s16 =	sadd.s32 s17, s14;
	s17 =	sadd.s32 s17, s15  }
.LBB1_4:
0x24: {  	v0 =	vmov s17;
	_ =	sdelay $0x3  }
0x25: {  	s20 =	simm.s32 $0x0  }
0x26: {  	v6 =	vld.idx.msk [tilespmem:v0+s20+$0x30 ss:$0x1], $0xffff  }
0x27: {  	v7 =	vld.idx.msk [tilespmem:v0+s20+$0xFFFFFFC0 ss:$0x1], $0xffff  }
0x28: {  	v5 =	vld.idx.msk [tilespmem:v0+s20+$0xFFFFFFD0 ss:$0x1], $0xffff  }
0x29: {  	v4 =	vld.idx.msk [tilespmem:v0+s20+$0xFFFFFFE0 ss:$0x1], $0xffff  }
0x2a: {  	v3 =	vld.idx.msk [tilespmem:v0+s20+$0xFFFFFFF0 ss:$0x1], $0xffff  }
0x2b: {  	v1 =	vld.idx.msk [tilespmem:v0+s20+$0x0 ss:$0x1], $0xffff  }
0x2c: {  	v2 =	vld.idx.msk [tilespmem:v0+s20+$0x10 ss:$0x1], $0xffff;
	[tilespmem:s16+$0x30] =	vst v6  }
0x2d: {  	s19 =	simm.s32 $0x80;
	s21 =	simm.s32 $0x400;
	[tilespmem:s16+$0xFFFFFFC0] =	vst v7;
	v6 =	vld.idx.msk [tilespmem:v0+s20+$0x20 ss:$0x1], $0xffff;
	s20 =	smov.u32 s16  }
.LBB1_5:
0x2e: {  	p1 =	sne.s32 s21, $0xE00;
	v7 =	vld.idx.msk [tilespmem:v0+s19+$0x30 ss:$0x1], $0xffff;
	[tilespmem:s20+$0xFFFFFFD0] =	vst v5  }
0x2f: {  	v8 =	vld.idx.msk [tilespmem:v0+s19+$0xFFFFFFC0 ss:$0x1], $0xffff;
	[tilespmem:s20+$0xFFFFFFE0] =	vst v4  }
0x30: {  	v5 =	vld.idx.msk [tilespmem:v0+s19+$0xFFFFFFD0 ss:$0x1], $0xffff;
	[tilespmem:s20+$0xFFFFFFF0] =	vst v3  }
.Ltmp3:
0x31: {  	v4 =	vld.idx.msk [tilespmem:v0+s19+$0xFFFFFFE0 ss:$0x1], $0xffff;
	[tilespmem:s20+$0x0] =	vst v1;
	(pc) =	sbr.rel @p1 .LBB1_5-.Ltmp3, $4  }
0x32: {  	v3 =	vld.idx.msk [tilespmem:v0+s19+$0xFFFFFFF0 ss:$0x1], $0xffff;
	[tilespmem:s20+$0x10] =	vst v2  }
0x33: {  	v1 =	vld.idx.msk [tilespmem:v0+s19+$0x0 ss:$0x1], $0xffff;
	[tilespmem:s20+$0x20] =	vst v6;
	s20 =	sadd.s32 $0x400, s20  }
0x34: {  	v2 =	vld.idx.msk [tilespmem:v0+s19+$0x10 ss:$0x1], $0xffff;
	[tilespmem:s20+$0x30] =	vst v7  }
0x35: {  	[tilespmem:s20+$0xFFFFFFC0] =	vst v8;
	v6 =	vld.idx.msk [tilespmem:v0+s19+$0x20 ss:$0x1], $0xffff;
	s19 =	sshra.s32 s21, $0x2;
	s21 =	sadd.s32 $0x200, s21  }
0x36: {  	_ =	sdelay $0x2  }
0x37: {  	[tilespmem:s20+$0xFFFFFFD0] =	vst v5  }
0x38: {  	v56 =	vld.idx.msk [tilespmem:v0+s19+$0x30 ss:$0x1], $0xffff;
	[tilespmem:s20+$0xFFFFFFE0] =	vst v4  }
0x39: {  	v57 =	vld.idx.msk [tilespmem:v0+s19+$0xFFFFFFC0 ss:$0x1], $0xffff;
	[tilespmem:s20+$0xFFFFFFF0] =	vst v3  }
0x3a: {  	v58 =	vld.idx.msk [tilespmem:v0+s19+$0xFFFFFFD0 ss:$0x1], $0xffff;
	[tilespmem:s20+$0x0] =	vst v1  }
0x3b: {  	v59 =	vld.idx.msk [tilespmem:v0+s19+$0xFFFFFFE0 ss:$0x1], $0xffff;
	[tilespmem:s20+$0x10] =	vst v2  }
0x3c: {  	v60 =	vld.idx.msk [tilespmem:v0+s19+$0xFFFFFFF0 ss:$0x1], $0xffff;
	s31 =	sadd.s32 $0x400, s20;
	[tilespmem:s20+$0x20] =	vst v6  }
0x3d: {  	v61 =	vld.idx.msk [tilespmem:v0+s19+$0x0 ss:$0x1], $0xffff;
	[tilespmem:s31+$0x30] =	vst v56  }
0x3e: {  	v62 =	vld.idx.msk [tilespmem:v0+s19+$0x10 ss:$0x1], $0xffff;
	s18 =	sadd.s32 $0x1, s18;
	[tilespmem:s31+$0xFFFFFFC0] =	vst v57  }
0x3f: {  	v63 =	vld.idx.msk [tilespmem:v0+s19+$0x20 ss:$0x1], $0xffff;
	p1 =	sne.s32 s18, $0x8;
	[tilespmem:s31+$0xFFFFFFD0] =	vst v58  }
.Ltmp4:
0x40: {  	[tilespmem:s31+$0xFFFFFFE0] =	vst v59;
	(pc) =	sbr.rel @p1 .LBB1_4-.Ltmp4, $4  }
0x41: {  	[tilespmem:s31+$0xFFFFFFF0] =	vst v60  }
0x42: {  	[tilespmem:s31+$0x0] =	vst v61  }
0x43: {  	[tilespmem:s31+$0x10] =	vst v62  }
0x44: {  	s16 =	sadd.s32 $0x80, s16;
	s17 =	sadd.s32 $0x400, s17;
	[tilespmem:s31+$0x20] =	vst v63  }
.Ltmp5:
0x45: {  	(pc) =	sbr.rel @p0 .LBB1_3-.Ltmp5, $2  }
0x46: {  	_ =	sdelay $0x2  }
0x47: {  	s16 =	simm.s32 $0x2000;
	p1 =	por $0x0, $0x0  }
.Ltmp6:
0x48: {  	(pc) =	sbr.rel .LBB1_9-.Ltmp6, $4  }
0x49: {  	_ = 	snop  }
0x4a: {  	s12 =	sshll.u32 s12, $0xA  }
0x4b: {  	s12 =	sadd.s32 s4, s12  }
0x4c: {  	[hbm4b:s12+s8] =	stream.linear.scatter [tilespmem:s13], [sflag:$0x2], $0x4000, $0x38;
	[tilespmem:$0x10000] =	vst v63  }
.LBB1_10:
0x4d: {  	_ =	sfence.sel $0x180000  }
0x4e: {  	s2 =	simm.s32 $0x1;
	[bflag:$0x0] =	sbarrier.arrive $0xFFFF  }
0x4f: {  	s31 =	simm.s32 $0x2;
	[sflag:s2] =	ssyncpa.u1 $0x1  }
0x50: {  	[sflag:s31] =	ssyncpa.u1 $0x1  }
0x51: {  	p0 =	sne.s32 s0, $0x0;
	_ =	strace $0x9000004A  }
0x52: {  	s0 =	sadd.s32 @!p0 $0x100000, s1;
	[bflag:$0x2] =	sbarrier.arrive $0xFFFF  }
0x53: {  	[sflag:s0] =	ssyncadd.tile.s32 @!p0 $0x1;
	_ =	shalt  }
.Lfunc_end1:
_tile_overlayer_lowered:
.L_overlay_start_2:
0x54: {  	(tag) =	ssettag $0x2  }
0x55: {  	s0 =	rddreg [dreg:$0x0];
	s2 =	stileid.u32  }
0x56: {  	s1 =	rddreg [dreg:$0x1];
	p0 =	sne.s32 s2, $0x0  }
0x57: {  	s3 =	rddreg [dreg:$0x2];
	[bflag:$0x3] =	sbarrier.arrive $0xFFFF;
	s2 =	simm.s32 @!p0 $0x1C01  }
0x58: {  	[timem:s3], [sflag:s2] =	dma.local @!p0 [hbm:s0], s1  }
0x59: {  	s0 =	simm.s32 @!p0 $0x1  }
0x5a: {  	_ =	swait.ge @!p0 [sflag:s0], s1  }
0x5b: {  	s1 =	ssub.s32 @!p0 $0x0, s1;
	[sflag:s0] =	ssyncset.done @!p0 $0x0  }
0x5c: {  	[sflag:s0] =	ssyncadd.s32 @!p0 s1  }
0x5d: {  	[bflag:$0x3] =	sbarrier.arrive $0xFFFF  }
0x5e: {  	_ =	shalt  }

// kernel: sparse-core-data-format-call.cloned.1.call-start
scs
called_computation_lowered:
.L_overlay_start_0:
0x0: {  	s2 =	sld [smem:$0x3FD9]  }
0x1: {  	s3 =	sld [smem:$0x3FFE];
	_ =	sdelay $0x1  }
0x2: {  	s1 =	srdreg.scid  }
0x3: {  	s0 =	sand.u32 $0x1, s1  }
0x4: {  	s18 =	sshll.u32 s0, $0xA;
	s2 =	sadd.s32 s3, s2  }
0x5: {  	s2 =	sadd.s32 s2, s18  }
0x6: {  	[smem:$0x3FC6] =	sst s2  }
0x7: {  	_ = 	snop  }
0x8: {  	s2 =	sld [smem:$0x3FC8];
	(tm) =	ssettm $0x1  }
0x9: {  	s19 =	sld [smem:$0x3FFB];
	_ =	sdelay $0x3  }
0xa: {  	_ =	strace s19  }
0xb: {  	s3 =	sld [smem:$0x3FFC];
	_ =	sdelay $0x3  }
0xc: {  	_ =	strace s3  }
0xd: {  	s3 =	sld [smem:$0x3FFD];
	_ =	sdelay $0x3  }
0xe: {  	_ =	strace s3  }
0xf: {  	_ =	strace $0x8FFFFFFF  }
0x10: {  	s20 =	sld [smem:$0x3FDB];
	_ =	sdelay $0x1  }
0x11: {  	s4 =	simm.s32 $_scs_section_size  }
0x12: {  	s5 =	simm.s32 $_size__tile_overlayer_lowered;
	s6 =	simm.s32 $_tile_overlayer_lowered  }
0x13: {  	s23 =	simm.s32 $0x1BFF;
	s22 =	sshll.u32 s6, $0x1;
	s3 =	sadd.s32 s4, s20  }
0x14: {  	s7 =	simm.s32 $0x0;
	s21 =	sshll.u32 s5, $0x1;
	s5 =	sadd.s32 s22, s3  }
0x15: {  	[timem:s7], [sflag:s23] =	dma.local [hbm:s5], s21  }
0x16: {  	_ =	swait.ge [sflag:s23], s21  }
0x17: {  	s4 =	ssub.s32 $0x0, s21;
	[sflag:s23] =	ssyncset.done $0x0  }
0x18: {  	[sflag:s23] =	ssyncadd.s32 s4;
	_ =	sdelay $0x1  }
0x19: {  	s24 =	simm.s32 $0x1B8B  }
0x1a: {  	_ =	swait.ge [sflag:s24], $0x1  }
0x1b: {  	[sflag:s24] =	ssyncset.done $0x0  }
0x1c: {  	s26 =	simm.s32 $0x1B8E;
	s25 =	sld [smem:$0x3FFE];
	[sflag:s24] =	ssyncadd.s32 $0xFFFFFFFF  }
0x1d: {  	s27 =	simm.s32 $execute0_lowered;
	[smem:$0x3FD2] =	sst s26  }
0x1e: {  	s5 =	sshll.u32 s27, $0x1;
	_ =	strace $0x80000046;
	[dreg:$0x1] =	wrdreg $0xFFFFFFFF  }
0x1f: {  	s28 =	simm.s32 $_size_execute0_lowered;
	s3 =	sadd.s32 s3, s5;
	[dreg:$0x0] =	wrdreg $0x0  }
0x20: {  	s5 =	sshll.u32 s28, $0x1;
	[dreg:$0x2] =	wrdreg s3  }
0x21: {  	[dreg:$0x3] =	wrdreg s5  }
0x22: {  	[dreg:$0x4] =	wrdreg $0xC0  }
0x23: {  	_ =	task [dreg:s7], $0x5FFFF  }
0x24: {  	[dreg:$0x1] =	wrdreg $0xFFFFFFFF  }
0x25: {  	[dreg:$0x0] =	wrdreg $0x60  }
0x26: {  	[dreg:$0x2] =	wrdreg s2  }
0x27: {  	[dreg:$0x3] =	wrdreg s25  }
0x28: {  	[dreg:$0x4] =	wrdreg $0x9  }
0x29: {  	_ =	task.clear_ibuf [dreg:s7], $0x5FFFF;
	_ =	strace $0x90000046  }
0x2a: {  	s29 =	simm.s32 $0x9;
	_ =	strace $0x80000048  }
0x2b: {  	_ =	swait.ge [sflag:s29], $0x1  }
0x2c: {  	[sflag:s29] =	ssyncadd.s32 $0xFFFFFFFF  }
0x2d: {  	_ =	strace $0x90000048  }
0x2e: {  	_ =	sfence  }
0x2f: {  	s30 =	sld [smem:$0x0];
	_ =	sdelay $0x2  }
0x30: {  	s31 =	sshll.u32 s1, $0xD;
	s1 =	sshrl.u32 s1, $0x2  }
0x31: {  	s3 =	sand.u32 $0x4000, s31;
	s1 =	sadd.s32 s1, s30  }
0x32: {  	s0 =	sor.u32 s3, s0;
	s1 =	sshll.u32 s1, $0x11  }
0x33: {  	s0 =	sor.u32 s1, s0  }
0x34: {  	s0 =	sadd.s32 $0x8F2B, s0  }
0x35: {  	[sflag:s0] =	ssyncadd.remote.s32 $0x1  }
0x36: {  	_ =	sfence.sel $0xFFFF  }
0x37: {  	[dreg:$0x0] =	wrdreg $0xFFFFFFFF;
	(pc) =	sbr.abs _section_cstart, $3  }
0x38: {  	[dreg:$0x1] =	wrdreg $0xFFFFFFFF  }
0x39: {  	_ =	task.clear_ibuf [dreg:s7], $0x2FFFF;
	_ =	strace $0x9FFFFFFF  }
0x3a: {  	(tm) =	ssettm $0x7FFFFFFF  }
0x3b: {  	_ =	shalt  }
tec
execute0_lowered:
.L_overlay_start_1:
0x0: {  	(tag) =	ssettag $0x1  }
0x1: {  	s0 =	srdreg.scid  }
0x2: {  	s1 =	sshll.u32 s0, $0x4  }
0x3: {  	s2 =	rddreg [dreg:$0x0];
	s0 =	stileid.u32;
	s1 =	sand.u32 $0x10, s1  }
0x4: {  	s4 =	rddreg [dreg:$0x1];
	s7 =	simm.s32 $0x1;
	s1 =	sor.u32 s0, s1  }
0x5: {  	s8 =	simm.s32 $0x2;
	s9 =	simm.s32 $0x0;
	s3 =	sshll.u32 s1, $0x1  }
0x6: {  	s12 =	simm.s32 $0x0;
	s11 =	simm.s32 $0x0;
	s6 =	ssub.s32 $0x400, s3  }
.Ltmp0:
0x7: {  	s4 =	sadd.s32 $0xC00, s4;
	s5 =	sand.u32 $0x3E, s6;
	(pc) =	sbr.rel .LBB1_1-.Ltmp0, $4  }
0x8: {  	s1 =	rddreg [dreg:$0x2];
	_ =	strace $0x80000047;
	p0 =	sne.s32 s5, $0x0  }
0x9: {  	s6 =	sshrl.u32 s6, $0x6;
	s5 =	simm.s32 $0x1;
	s7 =	simm.s32 @!p0 $0x0  }
0xa: {  	s10 =	smov.u32 s3;
	[sflag:s5] =	ssyncpa.u1 $0x0;
	s6 =	sadd.s32 s7, s6  }
0xb: {  	[sflag:s8] =	ssyncpa.u1 $0x0;
	s8 =	simm.s32 $0x0;
	s7 =	sadd.s32 $0x1, s6  }
.LBB1_9:
0xc: {  	s14 =	sadd.s32 $0x40, s10  }
0xd: {  	p1 =	sgt.s32 s14, $0x3FF  }
0xe: {  	s14 =	smov.u32 @p1 s3;
	p1 =	sne.s32 s11, s7  }
.Ltmp1:
0xf: {  	p0 =	slt.u32 s11, $0x2;
	(pc) =	sbr.rel @!p1 .LBB1_10-.Ltmp1, $4  }
0x10: {  	s13 =	simm.s32 @!p0 $0x2  }
0x11: {  	s15 =	sadd.s32 $0x1, s11;
	_ =	swait.ge @!p0 [sflag:s13], $0x4000  }
0x12: {  	s12 =	smov.u32 s10;
	s9 =	sadd.s32 $0x4000, s9;
	[sflag:s13] =	ssyncset.done @!p0 $0x0  }
0x13: {  	s11 =	smov.u32 s15;
	s10 =	smov.u32 s14;
	[sflag:s13] =	ssyncadd.s32 @!p0 $0xFFFFC000  }
.LBB1_1:
0x14: {  	p0 =	sge.u32 s11, s6  }
0x15: {  	s13 =	sxor.u32 @!p0 $0xFFFFFFFF, s11  }
0x16: {  	s31 =	sadd.s32 $0xFFFFFFFF, s11;
	s14 =	sshll.u32 @!p0 s10, $0xA;
	s13 =	sshll.u32 @!p0 s13, $0xE  }
0x17: {  	s15 =	simm.s32 @!p0 $0x0;
	s14 =	sadd.s32 @!p0 s2, s14;
	s13 =	sand.u32 @!p0 $0x4000, s13  }
0x18: {  	[tilespmem:s13], [sflag:$0x1] =	stream.linear.gather @!p0 [hbm4b:s14+s15], $0x4000, $0x38;
	[tilespmem:$0x10000] =	vst v63  }
0x19: {  	p0 =	sge.u32 s31, s6  }
.Ltmp2:
0x1a: {  	_ = 	snop;
	(pc) =	sbr.rel @p0 .LBB1_9-.Ltmp2, $1  }
0x1b: {  	_ =	sdelay $0x3  }
0x1c: {  	s13 =	sshll.u32 s9, $0x2  }
0x1d: {  	_ =	swait.ge [sflag:s5], $0x4000;
	s14 =	sshll.u32 s11, $0xE;
	s16 =	simm.s32 $0x0  }
0x1e: {  	p1 =	por $0x1, $0x1;
	s13 =	sand.u32 $0x10000, s13;
	[sflag:s5] =	ssyncset.done $0x0  }
0x1f: {  	s14 =	sand.u32 $0x4000, s14;
	s15 =	sshrl.u32 s13, $0x2;
	[sflag:s5] =	ssyncadd.s32 $0xFFFFC000  }
0x20: {  	s13 =	sor.u32 $0x8000, s14;
	s14 =	sadd.s32 $0x8040, s15;
	s15 =	sadd.s32 $0x40, s15  }
.LBB1_3:
0x21: {  	s16 =	sshll.u32 s16, $0x2  }
0x22: {  	p0 =	por p1, p1;
	s17 =	sshra.s32 s16, $0x2  }
0x23: {  	s18 =	simm.s32 $0x0;
	s16 =	sadd.s32 s17, s14;
	s17 =	sadd.s32 s17, s15  }
.LBB1_4:
0x24: {  	v0 =	vmov s17;
	_ =	sdelay $0x3  }
0x25: {  	s20 =	simm.s32 $0x0  }
0x26: {  	v6 =	vld.idx.msk [tilespmem:v0+s20+$0x30 ss:$0x1], $0xffff  }
0x27: {  	v7 =	vld.idx.msk [tilespmem:v0+s20+$0xFFFFFFC0 ss:$0x1], $0xffff  }
0x28: {  	v5 =	vld.idx.msk [tilespmem:v0+s20+$0xFFFFFFD0 ss:$0x1], $0xffff  }
0x29: {  	v4 =	vld.idx.msk [tilespmem:v0+s20+$0xFFFFFFE0 ss:$0x1], $0xffff  }
0x2a: {  	v3 =	vld.idx.msk [tilespmem:v0+s20+$0xFFFFFFF0 ss:$0x1], $0xffff  }
0x2b: {  	v1 =	vld.idx.msk [tilespmem:v0+s20+$0x0 ss:$0x1], $0xffff  }
0x2c: {  	v2 =	vld.idx.msk [tilespmem:v0+s20+$0x10 ss:$0x1], $0xffff;
	[tilespmem:s16+$0x30] =	vst v6  }
0x2d: {  	s19 =	simm.s32 $0x80;
	s21 =	simm.s32 $0x400;
	[tilespmem:s16+$0xFFFFFFC0] =	vst v7;
	v6 =	vld.idx.msk [tilespmem:v0+s20+$0x20 ss:$0x1], $0xffff;
	s20 =	smov.u32 s16  }
.LBB1_5:
0x2e: {  	p1 =	sne.s32 s21, $0xE00;
	v7 =	vld.idx.msk [tilespmem:v0+s19+$0x30 ss:$0x1], $0xffff;
	[tilespmem:s20+$0xFFFFFFD0] =	vst v5  }
0x2f: {  	v8 =	vld.idx.msk [tilespmem:v0+s19+$0xFFFFFFC0 ss:$0x1], $0xffff;
	[tilespmem:s20+$0xFFFFFFE0] =	vst v4  }
0x30: {  	v5 =	vld.idx.msk [tilespmem:v0+s19+$0xFFFFFFD0 ss:$0x1], $0xffff;
	[tilespmem:s20+$0xFFFFFFF0] =	vst v3  }
.Ltmp3:
0x31: {  	v4 =	vld.idx.msk [tilespmem:v0+s19+$0xFFFFFFE0 ss:$0x1], $0xffff;
	[tilespmem:s20+$0x0] =	vst v1;
	(pc) =	sbr.rel @p1 .LBB1_5-.Ltmp3, $4  }
0x32: {  	v3 =	vld.idx.msk [tilespmem:v0+s19+$0xFFFFFFF0 ss:$0x1], $0xffff;
	[tilespmem:s20+$0x10] =	vst v2  }
0x33: {  	v1 =	vld.idx.msk [tilespmem:v0+s19+$0x0 ss:$0x1], $0xffff;
	[tilespmem:s20+$0x20] =	vst v6;
	s20 =	sadd.s32 $0x400, s20  }
0x34: {  	v2 =	vld.idx.msk [tilespmem:v0+s19+$0x10 ss:$0x1], $0xffff;
	[tilespmem:s20+$0x30] =	vst v7  }
0x35: {  	[tilespmem:s20+$0xFFFFFFC0] =	vst v8;
	v6 =	vld.idx.msk [tilespmem:v0+s19+$0x20 ss:$0x1], $0xffff;
	s19 =	sshra.s32 s21, $0x2;
	s21 =	sadd.s32 $0x200, s21  }
0x36: {  	_ =	sdelay $0x2  }
0x37: {  	[tilespmem:s20+$0xFFFFFFD0] =	vst v5  }
0x38: {  	v56 =	vld.idx.msk [tilespmem:v0+s19+$0x30 ss:$0x1], $0xffff;
	[tilespmem:s20+$0xFFFFFFE0] =	vst v4  }
0x39: {  	v57 =	vld.idx.msk [tilespmem:v0+s19+$0xFFFFFFC0 ss:$0x1], $0xffff;
	[tilespmem:s20+$0xFFFFFFF0] =	vst v3  }
0x3a: {  	v58 =	vld.idx.msk [tilespmem:v0+s19+$0xFFFFFFD0 ss:$0x1], $0xffff;
	[tilespmem:s20+$0x0] =	vst v1  }
0x3b: {  	v59 =	vld.idx.msk [tilespmem:v0+s19+$0xFFFFFFE0 ss:$0x1], $0xffff;
	[tilespmem:s20+$0x10] =	vst v2  }
0x3c: {  	v60 =	vld.idx.msk [tilespmem:v0+s19+$0xFFFFFFF0 ss:$0x1], $0xffff;
	s31 =	sadd.s32 $0x400, s20;
	[tilespmem:s20+$0x20] =	vst v6  }
0x3d: {  	v61 =	vld.idx.msk [tilespmem:v0+s19+$0x0 ss:$0x1], $0xffff;
	[tilespmem:s31+$0x30] =	vst v56  }
0x3e: {  	v62 =	vld.idx.msk [tilespmem:v0+s19+$0x10 ss:$0x1], $0xffff;
	s18 =	sadd.s32 $0x1, s18;
	[tilespmem:s31+$0xFFFFFFC0] =	vst v57  }
0x3f: {  	v63 =	vld.idx.msk [tilespmem:v0+s19+$0x20 ss:$0x1], $0xffff;
	p1 =	sne.s32 s18, $0x8;
	[tilespmem:s31+$0xFFFFFFD0] =	vst v58  }
.Ltmp4:
0x40: {  	[tilespmem:s31+$0xFFFFFFE0] =	vst v59;
	(pc) =	sbr.rel @p1 .LBB1_4-.Ltmp4, $4  }
0x41: {  	[tilespmem:s31+$0xFFFFFFF0] =	vst v60  }
0x42: {  	[tilespmem:s31+$0x0] =	vst v61  }
0x43: {  	[tilespmem:s31+$0x10] =	vst v62  }
0x44: {  	s16 =	sadd.s32 $0x80, s16;
	s17 =	sadd.s32 $0x400, s17;
	[tilespmem:s31+$0x20] =	vst v63  }
.Ltmp5:
0x45: {  	(pc) =	sbr.rel @p0 .LBB1_3-.Ltmp5, $2  }
0x46: {  	_ =	sdelay $0x2  }
0x47: {  	s16 =	simm.s32 $0x2000;
	p1 =	por $0x0, $0x0  }
.Ltmp6:
0x48: {  	(pc) =	sbr.rel .LBB1_9-.Ltmp6, $4  }
0x49: {  	_ = 	snop  }
0x4a: {  	s12 =	sshll.u32 s12, $0xA  }
0x4b: {  	s12 =	sadd.s32 s4, s12  }
0x4c: {  	[hbm4b:s12+s8] =	stream.linear.scatter [tilespmem:s13], [sflag:$0x2], $0x4000, $0x38;
	[tilespmem:$0x10000] =	vst v63  }
.LBB1_10:
0x4d: {  	_ =	sfence.sel $0x180000  }
0x4e: {  	s2 =	simm.s32 $0x1;
	[bflag:$0x0] =	sbarrier.arrive $0xFFFF  }
0x4f: {  	s31 =	simm.s32 $0x2;
	[sflag:s2] =	ssyncpa.u1 $0x1  }
0x50: {  	[sflag:s31] =	ssyncpa.u1 $0x1  }
0x51: {  	p0 =	sne.s32 s0, $0x0;
	_ =	strace $0x90000047  }
0x52: {  	s0 =	sadd.s32 @!p0 $0x100000, s1;
	[bflag:$0x2] =	sbarrier.arrive $0xFFFF  }
0x53: {  	[sflag:s0] =	ssyncadd.tile.s32 @!p0 $0x1;
	_ =	shalt  }
.Lfunc_end1:
_tile_overlayer_lowered:
.L_overlay_start_2:
0x54: {  	(tag) =	ssettag $0x2  }
0x55: {  	s0 =	rddreg [dreg:$0x0];
	s2 =	stileid.u32  }
0x56: {  	s1 =	rddreg [dreg:$0x1];
	p0 =	sne.s32 s2, $0x0  }
0x57: {  	s3 =	rddreg [dreg:$0x2];
	[bflag:$0x3] =	sbarrier.arrive $0xFFFF;
	s2 =	simm.s32 @!p0 $0x1C01  }
0x58: {  	[timem:s3], [sflag:s2] =	dma.local @!p0 [hbm:s0], s1  }
0x59: {  	s0 =	simm.s32 @!p0 $0x1  }
0x5a: {  	_ =	swait.ge @!p0 [sflag:s0], s1  }
0x5b: {  	s1 =	ssub.s32 @!p0 $0x0, s1;
	[sflag:s0] =	ssyncset.done @!p0 $0x0  }
0x5c: {  	[sflag:s0] =	ssyncadd.s32 @!p0 s1  }
0x5d: {  	[bflag:$0x3] =	sbarrier.arrive $0xFFFF  }
0x5e: {  	_ =	shalt  }

</sc_bundles>
